<compile_context>
chip_gen: v7x
topology: tpu7x:2x2x1
jax: 0.10.2.dev20260603
libtpu: 0.0.44.dev20260713+nightly
codegen_flags: <defaults>
</compile_context>

<pallas_src>
import functools

import jax
import jax.numpy as jnp
from jax import lax
from jax.experimental import pallas as pl
from jax.experimental.pallas import tpu as pltpu
from jax.experimental.pallas import tpu_sc as plsc

_VOCAB = 1000000
_EMB = 32
_BATCH = 16384
_FIELDS = 26
_N = _BATCH * _FIELDS
_NW = 32
_B_PER_W = _N // _NW
_CHUNK = 1024
_NCHUNKS = _B_PER_W // _CHUNK
_NB = 3

_TCOLS = 8192
_TBLK = 31
_WSTRIDE = _TCOLS * _TBLK
_IN_BLKS = (_VOCAB + _TCOLS - 1) // _TCOLS - 1


def _transpose_body(x0_ref, x1_ref, x2_ref, x3_ref, o_ref):
    o_ref[...] = jnp.concatenate(
        [x0_ref[...].T, x1_ref[...].T, x2_ref[...].T, x3_ref[...].T], axis=1
    )


def _in_spec(q):
    return pl.BlockSpec(
        (32, _TCOLS), lambda j, q=q: (0, jnp.minimum(j + _TBLK * q, _IN_BLKS))
    )


_pack_table = pl.pallas_call(
    _transpose_body,
    grid=(_TBLK,),
    in_specs=[_in_spec(0), _in_spec(1), _in_spec(2), _in_spec(3)],
    out_specs=pl.BlockSpec((_TCOLS, 128), lambda j: (j, 0)),
    out_shape=jax.ShapeDtypeStruct((_WSTRIDE, 128), jnp.float32),
)

_mesh = plsc.VectorSubcoreMesh(core_axis_name="c", subcore_axis_name="s")


@functools.partial(
    pl.kernel,
    mesh=_mesh,
    out_type=jax.ShapeDtypeStruct((_N, _EMB), jnp.float32),
    scratch_types=[
        pltpu.VMEM((_B_PER_W,), jnp.int32),
        pltpu.VMEM((_NB, _CHUNK, _EMB), jnp.float32),
        pltpu.SemaphoreType.DMA((_NB,)),
        pltpu.SemaphoreType.DMA((_NB,)),
    ],
    compiler_params=pltpu.CompilerParams(use_tc_tiling_on_sc=False),
)
def _emb_lookup(idx_hbm, table_hbm, out_hbm, idx_v, rows_v, gsems, wsems):
    wid = lax.axis_index("s") * 2 + lax.axis_index("c")
    base = wid * _B_PER_W
    pltpu.sync_copy(idx_hbm.at[pl.ds(base, _B_PER_W)], idx_v)

    def gather(j):
        return pltpu.async_copy(
            table_hbm.at[idx_v.at[pl.ds(j * _CHUNK, _CHUNK)]],
            rows_v.at[j % _NB],
            gsems.at[j % _NB],
        )

    def write(j):
        return [
            pltpu.async_copy(
                rows_v.at[j % _NB],
                out_hbm.at[pl.ds(base + j * _CHUNK, _CHUNK)],
                wsems.at[j % _NB],
            )
        ]

    gathers, writes = {}, {}
    waited = set()
    for j in range(min(2, _NCHUNKS)):
        gathers[j] = gather(j)
    for i in range(_NCHUNKS):
        gathers[i].wait()
        writes[i] = write(i)
        j = i + 2
        if j < _NCHUNKS:
            if j - _NB >= 0:
                for h in writes[j - _NB]:
                    h.wait()
                waited.add(j - _NB)
            gathers[j] = gather(j)
    for i in range(_NCHUNKS):
        if i not in waited:
            for h in writes[i]:
                h.wait()


def kernel(x, weight):
    wt = weight.T
    w128 = _pack_table(wt, wt, wt, wt)
    wlin = w128.reshape(_WSTRIDE * 4, _EMB)
    q = x // _WSTRIDE
    rows = (4 * x - (4 * _WSTRIDE - 1) * q).reshape(_N)
    out = _emb_lookup(rows, wlin)
    return out.reshape(_BATCH, _FIELDS, _EMB)

# --- scband reference (transcript-rebuilt; emitter-appended) ---
"""Pipeline reference for scband-embedding-82566451299095 (READ-ONLY COPY).

The authoritative reference and input builder live on the scoring server;
editing this copy changes nothing except your own understanding.
"""

import jax, jax.numpy as jnp
import numpy as np

VOCAB = 1000000
EMB = 32
BATCH = 16384
FIELDS = 26

def setup_inputs(seed: int = 0) -> dict:
    key = jax.random.key(seed)
    k1, k2 = jax.random.split(key)
    x = jax.random.randint(k1, (BATCH, FIELDS), 0, VOCAB, dtype=jnp.int64 if jax.config.jax_enable_x64 else jnp.int32)
    weight = jax.random.normal(k2, (VOCAB, EMB), dtype=jnp.float32)
    return {"x": x, "weight": weight}

def reference(x, weight):
    # Faithful translation of: self.weight[x]
    return jnp.take(weight, x, axis=0)

if __name__ == "__main__":
    import jax
    _d = setup_inputs()
    print(jax.jit(kernel)(*tuple(_d.values())))

</pallas_src>

<mosaic_0001>
#map = affine_map<(d0, d1) -> (0)>
#map1 = affine_map<(d0, d1) -> (0, 0)>
module attributes {stable_mosaic.version = 14 : i64} {
  func.func @_emb_lookup(%arg0: i32, %arg1: i32, %arg2: memref<425984xi32, #tpu.memory_space<hbm>>, %arg3: memref<1015808x32xf32, #tpu.memory_space<hbm>>, %arg4: memref<425984x32xf32, #tpu.memory_space<hbm>>, %arg5: memref<13312xi32, #tpu.memory_space<vmem>>, %arg6: memref<3x1024x32xf32, #tpu.memory_space<vmem>>, %arg7: memref<3x!tpu.dma_semaphore, #tpu.memory_space<semaphore_mem>>, %arg8: memref<3x!tpu.dma_semaphore, #tpu.memory_space<semaphore_mem>>) attributes {dimension_semantics = [#tpu.dimension_semantics<core_parallel>, #tpu.dimension_semantics<subcore_parallel>], iteration_bounds = array<i64: 2, 16>, scalar_prefetch = 0 : i64, scratch_operands = 4 : i64, tpu.core_type = #tpu.core_type<sc_vector_subcore>, window_params = [{transform_indices = #map}, {transform_indices = #map1}, {transform_indices = #map1}]} {
    %mul3A = arith.constant 2 : i32
    %mul3A_0 = arith.muli %arg1, %mul3A : i32
    %add3A = arith.addi %mul3A_0, %arg0 : i32
    %mul3A_1 = arith.constant 13312 : i32
    %mul3A_2 = arith.muli %add3A, %mul3A_1 : i32
    "tpu.region"() ({
      %run_scoped3A = tpu.sem_alloc : memref<!tpu.dma_semaphore, #tpu.memory_space<semaphore_mem>>
      %dma_start3A_781 = tpu.memref_slice %arg2[%mul3A_2] : memref<425984xi32, #tpu.memory_space<hbm>> -> memref<13312xi32, #tpu.memory_space<hbm>>
      %dma_start3A_782 = tpu.memref_slice %arg2[%mul3A_2] : memref<425984xi32, #tpu.memory_space<hbm>> -> memref<13312xi32, #tpu.memory_space<hbm>>
      tpu.enqueue_dma source(%dma_start3A_782 : memref<13312xi32, #tpu.memory_space<hbm>>) target(%arg5 : memref<13312xi32, #tpu.memory_space<vmem>>) target_semaphore(%run_scoped3A : memref<!tpu.dma_semaphore, #tpu.memory_space<semaphore_mem>>)
      %dma_wait3A_783 = tpu.memref_slice %arg2[%mul3A_2] : memref<425984xi32, #tpu.memory_space<hbm>> -> memref<13312xi32, #tpu.memory_space<hbm>>
      %dma_wait3A_784 = tpu.memref_slice %arg2[%mul3A_2] : memref<425984xi32, #tpu.memory_space<hbm>> -> memref<13312xi32, #tpu.memory_space<hbm>>
      tpu.wait_dma2 semaphore(%run_scoped3A : memref<!tpu.dma_semaphore, #tpu.memory_space<semaphore_mem>>) src(%dma_wait3A_784 : memref<13312xi32, #tpu.memory_space<hbm>>) dst(%arg5 : memref<13312xi32, #tpu.memory_space<vmem>>)
      tpu.yield
    }) : () -> ()
    %dma_start3A = arith.constant 0 : i32
    %dma_start3A_3 = arith.constant 0 : i32
    %dma_start3A_4 = arith.constant 0 : i32
    %dma_start3A_5 = arith.constant 0 : i32
    %dma_start3A_6 = tpu.memref_slice %arg6[%dma_start3A, %dma_start3A_4, %dma_start3A_5] : memref<3x1024x32xf32, #tpu.memory_space<vmem>> -> memref<1x1024x32xf32, #tpu.memory_space<vmem>>
    %dma_start3A_7 = tpu.memref_squeeze %dma_start3A_6 : memref<1x1024x32xf32, #tpu.memory_space<vmem>> -> memref<1024x32xf32, #tpu.memory_space<vmem>>
    %dma_start3A_8 = arith.constant 0 : i32
    %dma_start3A_9 = tpu.memref_slice %arg5[%dma_start3A_8] : memref<13312xi32, #tpu.memory_space<vmem>> -> memref<1024xi32, #tpu.memory_space<vmem>>
    %dma_start3A_10 = arith.constant 0 : i32
    %dma_start3A_11 = arith.constant 0 : i32
    %dma_start3A_12 = tpu.memref_slice %arg3[%dma_start3A_10, %dma_start3A_11] : memref<1015808x32xf32, #tpu.memory_space<hbm>> -> memref<1015808x32xf32, #tpu.memory_space<hbm>>
    %dma_start3A_13 = tpu.memref_slice %arg7[%dma_start3A_3] : memref<3x!tpu.dma_semaphore, #tpu.memory_space<semaphore_mem>> -> memref<1x!tpu.dma_semaphore, #tpu.memory_space<semaphore_mem>>
    %dma_start3A_14 = tpu.memref_squeeze %dma_start3A_13 : memref<1x!tpu.dma_semaphore, #tpu.memory_space<semaphore_mem>> -> memref<!tpu.dma_semaphore, #tpu.memory_space<semaphore_mem>>
    tpu.enqueue_indirect_dma source(%dma_start3A_12 : memref<1015808x32xf32, #tpu.memory_space<hbm>>) target(%dma_start3A_7 : memref<1024x32xf32, #tpu.memory_space<vmem>>) offsets(%dma_start3A_9 : memref<1024xi32, #tpu.memory_space<vmem>>) semaphore(%dma_start3A_14 : memref<!tpu.dma_semaphore, #tpu.memory_space<semaphore_mem>>)
    %dma_start3A_15 = arith.constant 1 : i32
    %dma_start3A_16 = arith.constant 1 : i32
    %dma_start3A_17 = arith.constant 0 : i32
    %dma_start3A_18 = arith.constant 0 : i32
    %dma_start3A_19 = tpu.memref_slice %arg6[%dma_start3A_15, %dma_start3A_17, %dma_start3A_18] : memref<3x1024x32xf32, #tpu.memory_space<vmem>> -> memref<1x1024x32xf32, #tpu.memory_space<vmem>>
    %dma_start3A_20 = tpu.memref_squeeze %dma_start3A_19 : memref<1x1024x32xf32, #tpu.memory_space<vmem>> -> memref<1024x32xf32, #tpu.memory_space<vmem>>
    %dma_start3A_21 = arith.constant 1024 : i32
    %dma_start3A_22 = tpu.memref_slice %arg5[%dma_start3A_21] : memref<13312xi32, #tpu.memory_space<vmem>> -> memref<1024xi32, #tpu.memory_space<vmem>>
    %dma_start3A_23 = arith.constant 0 : i32
    %dma_start3A_24 = arith.constant 0 : i32
    %dma_start3A_25 = tpu.memref_slice %arg3[%dma_start3A_23, %dma_start3A_24] : memref<1015808x32xf32, #tpu.memory_space<hbm>> -> memref<1015808x32xf32, #tpu.memory_space<hbm>>
    %dma_start3A_26 = tpu.memref_slice %arg7[%dma_start3A_16] : memref<3x!tpu.dma_semaphore, #tpu.memory_space<semaphore_mem>> -> memref<1x!tpu.dma_semaphore, #tpu.memory_space<semaphore_mem>>
    %dma_start3A_27 = tpu.memref_squeeze %dma_start3A_26 : memref<1x!tpu.dma_semaphore, #tpu.memory_space<semaphore_mem>> -> memref<!tpu.dma_semaphore, #tpu.memory_space<semaphore_mem>>
    tpu.enqueue_indirect_dma source(%dma_start3A_25 : memref<1015808x32xf32, #tpu.memory_space<hbm>>) target(%dma_start3A_20 : memref<1024x32xf32, #tpu.memory_space<vmem>>) offsets(%dma_start3A_22 : memref<1024xi32, #tpu.memory_space<vmem>>) semaphore(%dma_start3A_27 : memref<!tpu.dma_semaphore, #tpu.memory_space<semaphore_mem>>)
    %dma_wait3A = arith.constant 0 : i32
    %dma_wait3A_28 = arith.constant 0 : i32
    %dma_wait3A_29 = arith.constant 0 : i32
    %dma_wait3A_30 = arith.constant 0 : i32
    %dma_wait3A_31 = tpu.memref_slice %arg6[%dma_wait3A, %dma_wait3A_29, %dma_wait3A_30] : memref<3x1024x32xf32, #tpu.memory_space<vmem>> -> memref<1x1024x32xf32, #tpu.memory_space<vmem>>
    %dma_wait3A_32 = tpu.memref_squeeze %dma_wait3A_31 : memref<1x1024x32xf32, #tpu.memory_space<vmem>> -> memref<1024x32xf32, #tpu.memory_space<vmem>>
    %dma_wait3A_33 = arith.constant 0 : i32
    %dma_wait3A_34 = tpu.memref_slice %arg5[%dma_wait3A_33] : memref<13312xi32, #tpu.memory_space<vmem>> -> memref<1024xi32, #tpu.memory_space<vmem>>
    %dma_wait3A_35 = arith.constant 0 : i32
    %dma_wait3A_36 = arith.constant 0 : i32
    %dma_wait3A_37 = tpu.memref_slice %arg3[%dma_wait3A_35, %dma_wait3A_36] : memref<1015808x32xf32, #tpu.memory_space<hbm>> -> memref<1015808x32xf32, #tpu.memory_space<hbm>>
    %dma_wait3A_38 = tpu.memref_slice %arg7[%dma_wait3A_28] : memref<3x!tpu.dma_semaphore, #tpu.memory_space<semaphore_mem>> -> memref<1x!tpu.dma_semaphore, #tpu.memory_space<semaphore_mem>>
    %dma_wait3A_39 = tpu.memref_squeeze %dma_wait3A_38 : memref<1x!tpu.dma_semaphore, #tpu.memory_space<semaphore_mem>> -> memref<!tpu.dma_semaphore, #tpu.memory_space<semaphore_mem>>
    tpu.wait_indirect_dma semaphore(%dma_wait3A_39 : memref<!tpu.dma_semaphore, #tpu.memory_space<semaphore_mem>>) src(%dma_wait3A_37 : memref<1015808x32xf32, #tpu.memory_space<hbm>>) dst(%dma_wait3A_32 : memref<1024x32xf32, #tpu.memory_space<vmem>>)
    %add3A_40 = arith.constant 0 : i32
    %add3A_41 = arith.addi %mul3A_2, %add3A_40 : i32
    %dma_start3A_42 = arith.constant 0 : i32
    %dma_start3A_43 = arith.constant 0 : i32
    %dma_start3A_44 = arith.constant 0 : i32
    %dma_start3A_45 = arith.constant 0 : i32
    %dma_start3A_46 = tpu.memref_slice %arg6[%dma_start3A_42, %dma_start3A_44, %dma_start3A_45] : memref<3x1024x32xf32, #tpu.memory_space<vmem>> -> memref<1x1024x32xf32, #tpu.memory_space<vmem>>
    %dma_start3A_47 = tpu.memref_squeeze %dma_start3A_46 : memref<1x1024x32xf32, #tpu.memory_space<vmem>> -> memref<1024x32xf32, #tpu.memory_space<vmem>>
    %dma_start3A_48 = arith.constant 0 : i32
    %dma_start3A_49 = tpu.memref_slice %arg4[%add3A_41, %dma_start3A_48] : memref<425984x32xf32, #tpu.memory_space<hbm>> -> memref<1024x32xf32, #tpu.memory_space<hbm>>
    %dma_start3A_50 = tpu.memref_slice %arg8[%dma_start3A_43] : memref<3x!tpu.dma_semaphore, #tpu.memory_space<semaphore_mem>> -> memref<1x!tpu.dma_semaphore, #tpu.memory_space<semaphore_mem>>
    %dma_start3A_51 = tpu.memref_squeeze %dma_start3A_50 : memref<1x!tpu.dma_semaphore, #tpu.memory_space<semaphore_mem>> -> memref<!tpu.dma_semaphore, #tpu.memory_space<semaphore_mem>>
    %dma_start3A_52 = arith.constant 0 : i32
    %dma_start3A_53 = tpu.memref_slice %arg4[%add3A_41, %dma_start3A_52] : memref<425984x32xf32, #tpu.memory_space<hbm>> -> memref<1024x32xf32, #tpu.memory_space<hbm>>
    %dma_start3A_54 = arith.constant 0 : i32
    %dma_start3A_55 = arith.constant 0 : i32
    %dma_start3A_56 = tpu.memref_slice %arg6[%dma_start3A_42, %dma_start3A_54, %dma_start3A_55] : memref<3x1024x32xf32, #tpu.memory_space<vmem>> -> memref<1x1024x32xf32, #tpu.memory_space<vmem>>
    %dma_start3A_57 = tpu.memref_squeeze %dma_start3A_56 : memref<1x1024x32xf32, #tpu.memory_space<vmem>> -> memref<1024x32xf32, #tpu.memory_space<vmem>>
    tpu.enqueue_dma source(%dma_start3A_57 : memref<1024x32xf32, #tpu.memory_space<vmem>>) target(%dma_start3A_53 : memref<1024x32xf32, #tpu.memory_space<hbm>>) target_semaphore(%dma_start3A_51 : memref<!tpu.dma_semaphore, #tpu.memory_space<semaphore_mem>>)
    %dma_start3A_58 = arith.constant 2 : i32
    %dma_start3A_59 = arith.constant 2 : i32
    %dma_start3A_60 = arith.constant 0 : i32
    %dma_start3A_61 = arith.constant 0 : i32
    %dma_start3A_62 = tpu.memref_slice %arg6[%dma_start3A_58, %dma_start3A_60, %dma_start3A_61] : memref<3x1024x32xf32, #tpu.memory_space<vmem>> -> memref<1x1024x32xf32, #tpu.memory_space<vmem>>
    %dma_start3A_63 = tpu.memref_squeeze %dma_start3A_62 : memref<1x1024x32xf32, #tpu.memory_space<vmem>> -> memref<1024x32xf32, #tpu.memory_space<vmem>>
    %dma_start3A_64 = arith.constant 2048 : i32
    %dma_start3A_65 = tpu.memref_slice %arg5[%dma_start3A_64] : memref<13312xi32, #tpu.memory_space<vmem>> -> memref<1024xi32, #tpu.memory_space<vmem>>
    %dma_start3A_66 = arith.constant 0 : i32
    %dma_start3A_67 = arith.constant 0 : i32
    %dma_start3A_68 = tpu.memref_slice %arg3[%dma_start3A_66, %dma_start3A_67] : memref<1015808x32xf32, #tpu.memory_space<hbm>> -> memref<1015808x32xf32, #tpu.memory_space<hbm>>
    %dma_start3A_69 = tpu.memref_slice %arg7[%dma_start3A_59] : memref<3x!tpu.dma_semaphore, #tpu.memory_space<semaphore_mem>> -> memref<1x!tpu.dma_semaphore, #tpu.memory_space<semaphore_mem>>
    %dma_start3A_70 = tpu.memref_squeeze %dma_start3A_69 : memref<1x!tpu.dma_semaphore, #tpu.memory_space<semaphore_mem>> -> memref<!tpu.dma_semaphore, #tpu.memory_space<semaphore_mem>>
    tpu.enqueue_indirect_dma source(%dma_start3A_68 : memref<1015808x32xf32, #tpu.memory_space<hbm>>) target(%dma_start3A_63 : memref<1024x32xf32, #tpu.memory_space<vmem>>) offsets(%dma_start3A_65 : memref<1024xi32, #tpu.memory_space<vmem>>) semaphore(%dma_start3A_70 : memref<!tpu.dma_semaphore, #tpu.memory_space<semaphore_mem>>)
    %dma_wait3A_71 = arith.constant 1 : i32
    %dma_wait3A_72 = arith.constant 1 : i32
    %dma_wait3A_73 = arith.constant 0 : i32
    %dma_wait3A_74 = arith.constant 0 : i32
    %dma_wait3A_75 = tpu.memref_slice %arg6[%dma_wait3A_71, %dma_wait3A_73, %dma_wait3A_74] : memref<3x1024x32xf32, #tpu.memory_space<vmem>> -> memref<1x1024x32xf32, #tpu.memory_space<vmem>>
    %dma_wait3A_76 = tpu.memref_squeeze %dma_wait3A_75 : memref<1x1024x32xf32, #tpu.memory_space<vmem>> -> memref<1024x32xf32, #tpu.memory_space<vmem>>
    %dma_wait3A_77 = arith.constant 1024 : i32
    %dma_wait3A_78 = tpu.memref_slice %arg5[%dma_wait3A_77] : memref<13312xi32, #tpu.memory_space<vmem>> -> memref<1024xi32, #tpu.memory_space<vmem>>
    %dma_wait3A_79 = arith.constant 0 : i32
    %dma_wait3A_80 = arith.constant 0 : i32
    %dma_wait3A_81 = tpu.memref_slice %arg3[%dma_wait3A_79, %dma_wait3A_80] : memref<1015808x32xf32, #tpu.memory_space<hbm>> -> memref<1015808x32xf32, #tpu.memory_space<hbm>>
    %dma_wait3A_82 = tpu.memref_slice %arg7[%dma_wait3A_72] : memref<3x!tpu.dma_semaphore, #tpu.memory_space<semaphore_mem>> -> memref<1x!tpu.dma_semaphore, #tpu.memory_space<semaphore_mem>>
    %dma_wait3A_83 = tpu.memref_squeeze %dma_wait3A_82 : memref<1x!tpu.dma_semaphore, #tpu.memory_space<semaphore_mem>> -> memref<!tpu.dma_semaphore, #tpu.memory_space<semaphore_mem>>
    tpu.wait_indirect_dma semaphore(%dma_wait3A_83 : memref<!tpu.dma_semaphore, #tpu.memory_space<semaphore_mem>>) src(%dma_wait3A_81 : memref<1015808x32xf32, #tpu.memory_space<hbm>>) dst(%dma_wait3A_76 : memref<1024x32xf32, #tpu.memory_space<vmem>>)
    %add3A_84 = arith.constant 1024 : i32
    %add3A_85 = arith.addi %mul3A_2, %add3A_84 : i32
    %dma_start3A_86 = arith.constant 1 : i32
    %dma_start3A_87 = arith.constant 1 : i32
    %dma_start3A_88 = arith.constant 0 : i32
    %dma_start3A_89 = arith.constant 0 : i32
    %dma_start3A_90 = tpu.memref_slice %arg6[%dma_start3A_86, %dma_start3A_88, %dma_start3A_89] : memref<3x1024x32xf32, #tpu.memory_space<vmem>> -> memref<1x1024x32xf32, #tpu.memory_space<vmem>>
    %dma_start3A_91 = tpu.memref_squeeze %dma_start3A_90 : memref<1x1024x32xf32, #tpu.memory_space<vmem>> -> memref<1024x32xf32, #tpu.memory_space<vmem>>
    %dma_start3A_92 = arith.constant 0 : i32
    %dma_start3A_93 = tpu.memref_slice %arg4[%add3A_85, %dma_start3A_92] : memref<425984x32xf32, #tpu.memory_space<hbm>> -> memref<1024x32xf32, #tpu.memory_space<hbm>>
    %dma_start3A_94 = tpu.memref_slice %arg8[%dma_start3A_87] : memref<3x!tpu.dma_semaphore, #tpu.memory_space<semaphore_mem>> -> memref<1x!tpu.dma_semaphore, #tpu.memory_space<semaphore_mem>>
    %dma_start3A_95 = tpu.memref_squeeze %dma_start3A_94 : memref<1x!tpu.dma_semaphore, #tpu.memory_space<semaphore_mem>> -> memref<!tpu.dma_semaphore, #tpu.memory_space<semaphore_mem>>
    %dma_start3A_96 = arith.constant 0 : i32
    %dma_start3A_97 = tpu.memref_slice %arg4[%add3A_85, %dma_start3A_96] : memref<425984x32xf32, #tpu.memory_space<hbm>> -> memref<1024x32xf32, #tpu.memory_space<hbm>>
    %dma_start3A_98 = arith.constant 0 : i32
    %dma_start3A_99 = arith.constant 0 : i32
    %dma_start3A_100 = tpu.memref_slice %arg6[%dma_start3A_86, %dma_start3A_98, %dma_start3A_99] : memref<3x1024x32xf32, #tpu.memory_space<vmem>> -> memref<1x1024x32xf32, #tpu.memory_space<vmem>>
    %dma_start3A_101 = tpu.memref_squeeze %dma_start3A_100 : memref<1x1024x32xf32, #tpu.memory_space<vmem>> -> memref<1024x32xf32, #tpu.memory_space<vmem>>
    tpu.enqueue_dma source(%dma_start3A_101 : memref<1024x32xf32, #tpu.memory_space<vmem>>) target(%dma_start3A_97 : memref<1024x32xf32, #tpu.memory_space<hbm>>) target_semaphore(%dma_start3A_95 : memref<!tpu.dma_semaphore, #tpu.memory_space<semaphore_mem>>)
    %dma_wait3A_102 = arith.constant 0 : i32
    %dma_wait3A_103 = arith.constant 0 : i32
    %dma_wait3A_104 = arith.constant 0 : i32
    %dma_wait3A_105 = arith.constant 0 : i32
    %dma_wait3A_106 = tpu.memref_slice %arg6[%dma_wait3A_102, %dma_wait3A_104, %dma_wait3A_105] : memref<3x1024x32xf32, #tpu.memory_space<vmem>> -> memref<1x1024x32xf32, #tpu.memory_space<vmem>>
    %dma_wait3A_107 = tpu.memref_squeeze %dma_wait3A_106 : memref<1x1024x32xf32, #tpu.memory_space<vmem>> -> memref<1024x32xf32, #tpu.memory_space<vmem>>
    %dma_wait3A_108 = arith.constant 0 : i32
    %dma_wait3A_109 = tpu.memref_slice %arg4[%add3A_41, %dma_wait3A_108] : memref<425984x32xf32, #tpu.memory_space<hbm>> -> memref<1024x32xf32, #tpu.memory_space<hbm>>
    %dma_wait3A_110 = tpu.memref_slice %arg8[%dma_wait3A_103] : memref<3x!tpu.dma_semaphore, #tpu.memory_space<semaphore_mem>> -> memref<1x!tpu.dma_semaphore, #tpu.memory_space<semaphore_mem>>
    %dma_wait3A_111 = tpu.memref_squeeze %dma_wait3A_110 : memref<1x!tpu.dma_semaphore, #tpu.memory_space<semaphore_mem>> -> memref<!tpu.dma_semaphore, #tpu.memory_space<semaphore_mem>>
    %dma_wait3A_112 = arith.constant 0 : i32
    %dma_wait3A_113 = tpu.memref_slice %arg4[%add3A_41, %dma_wait3A_112] : memref<425984x32xf32, #tpu.memory_space<hbm>> -> memref<1024x32xf32, #tpu.memory_space<hbm>>
    %dma_wait3A_114 = arith.constant 0 : i32
    %dma_wait3A_115 = arith.constant 0 : i32
    %dma_wait3A_116 = tpu.memref_slice %arg6[%dma_wait3A_102, %dma_wait3A_114, %dma_wait3A_115] : memref<3x1024x32xf32, #tpu.memory_space<vmem>> -> memref<1x1024x32xf32, #tpu.memory_space<vmem>>
    %dma_wait3A_117 = tpu.memref_squeeze %dma_wait3A_116 : memref<1x1024x32xf32, #tpu.memory_space<vmem>> -> memref<1024x32xf32, #tpu.memory_space<vmem>>
    tpu.wait_dma2 semaphore(%dma_wait3A_111 : memref<!tpu.dma_semaphore, #tpu.memory_space<semaphore_mem>>) src(%dma_wait3A_117 : memref<1024x32xf32, #tpu.memory_space<vmem>>) dst(%dma_wait3A_113 : memref<1024x32xf32, #tpu.memory_space<hbm>>)
    %dma_start3A_118 = arith.constant 0 : i32
    %dma_start3A_119 = arith.constant 0 : i32
    %dma_start3A_120 = arith.constant 0 : i32
    %dma_start3A_121 = arith.constant 0 : i32
    %dma_start3A_122 = tpu.memref_slice %arg6[%dma_start3A_118, %dma_start3A_120, %dma_start3A_121] : memref<3x1024x32xf32, #tpu.memory_space<vmem>> -> memref<1x1024x32xf32, #tpu.memory_space<vmem>>
    %dma_start3A_123 = tpu.memref_squeeze %dma_start3A_122 : memref<1x1024x32xf32, #tpu.memory_space<vmem>> -> memref<1024x32xf32, #tpu.memory_space<vmem>>
    %dma_start3A_124 = arith.constant 3072 : i32
    %dma_start3A_125 = tpu.memref_slice %arg5[%dma_start3A_124] : memref<13312xi32, #tpu.memory_space<vmem>> -> memref<1024xi32, #tpu.memory_space<vmem>>
    %dma_start3A_126 = arith.constant 0 : i32
    %dma_start3A_127 = arith.constant 0 : i32
    %dma_start3A_128 = tpu.memref_slice %arg3[%dma_start3A_126, %dma_start3A_127] : memref<1015808x32xf32, #tpu.memory_space<hbm>> -> memref<1015808x32xf32, #tpu.memory_space<hbm>>
    %dma_start3A_129 = tpu.memref_slice %arg7[%dma_start3A_119] : memref<3x!tpu.dma_semaphore, #tpu.memory_space<semaphore_mem>> -> memref<1x!tpu.dma_semaphore, #tpu.memory_space<semaphore_mem>>
    %dma_start3A_130 = tpu.memref_squeeze %dma_start3A_129 : memref<1x!tpu.dma_semaphore, #tpu.memory_space<semaphore_mem>> -> memref<!tpu.dma_semaphore, #tpu.memory_space<semaphore_mem>>
    tpu.enqueue_indirect_dma source(%dma_start3A_128 : memref<1015808x32xf32, #tpu.memory_space<hbm>>) target(%dma_start3A_123 : memref<1024x32xf32, #tpu.memory_space<vmem>>) offsets(%dma_start3A_125 : memref<1024xi32, #tpu.memory_space<vmem>>) semaphore(%dma_start3A_130 : memref<!tpu.dma_semaphore, #tpu.memory_space<semaphore_mem>>)
    %dma_wait3A_131 = arith.constant 2 : i32
    %dma_wait3A_132 = arith.constant 2 : i32
    %dma_wait3A_133 = arith.constant 0 : i32
    %dma_wait3A_134 = arith.constant 0 : i32
    %dma_wait3A_135 = tpu.memref_slice %arg6[%dma_wait3A_131, %dma_wait3A_133, %dma_wait3A_134] : memref<3x1024x32xf32, #tpu.memory_space<vmem>> -> memref<1x1024x32xf32, #tpu.memory_space<vmem>>
    %dma_wait3A_136 = tpu.memref_squeeze %dma_wait3A_135 : memref<1x1024x32xf32, #tpu.memory_space<vmem>> -> memref<1024x32xf32, #tpu.memory_space<vmem>>
    %dma_wait3A_137 = arith.constant 2048 : i32
    %dma_wait3A_138 = tpu.memref_slice %arg5[%dma_wait3A_137] : memref<13312xi32, #tpu.memory_space<vmem>> -> memref<1024xi32, #tpu.memory_space<vmem>>
    %dma_wait3A_139 = arith.constant 0 : i32
    %dma_wait3A_140 = arith.constant 0 : i32
    %dma_wait3A_141 = tpu.memref_slice %arg3[%dma_wait3A_139, %dma_wait3A_140] : memref<1015808x32xf32, #tpu.memory_space<hbm>> -> memref<1015808x32xf32, #tpu.memory_space<hbm>>
    %dma_wait3A_142 = tpu.memref_slice %arg7[%dma_wait3A_132] : memref<3x!tpu.dma_semaphore, #tpu.memory_space<semaphore_mem>> -> memref<1x!tpu.dma_semaphore, #tpu.memory_space<semaphore_mem>>
    %dma_wait3A_143 = tpu.memref_squeeze %dma_wait3A_142 : memref<1x!tpu.dma_semaphore, #tpu.memory_space<semaphore_mem>> -> memref<!tpu.dma_semaphore, #tpu.memory_space<semaphore_mem>>
    tpu.wait_indirect_dma semaphore(%dma_wait3A_143 : memref<!tpu.dma_semaphore, #tpu.memory_space<semaphore_mem>>) src(%dma_wait3A_141 : memref<1015808x32xf32, #tpu.memory_space<hbm>>) dst(%dma_wait3A_136 : memref<1024x32xf32, #tpu.memory_space<vmem>>)
    %add3A_144 = arith.constant 2048 : i32
    %add3A_145 = arith.addi %mul3A_2, %add3A_144 : i32
    %dma_start3A_146 = arith.constant 2 : i32
    %dma_start3A_147 = arith.constant 2 : i32
    %dma_start3A_148 = arith.constant 0 : i32
    %dma_start3A_149 = arith.constant 0 : i32
    %dma_start3A_150 = tpu.memref_slice %arg6[%dma_start3A_146, %dma_start3A_148, %dma_start3A_149] : memref<3x1024x32xf32, #tpu.memory_space<vmem>> -> memref<1x1024x32xf32, #tpu.memory_space<vmem>>
    %dma_start3A_151 = tpu.memref_squeeze %dma_start3A_150 : memref<1x1024x32xf32, #tpu.memory_space<vmem>> -> memref<1024x32xf32, #tpu.memory_space<vmem>>
    %dma_start3A_152 = arith.constant 0 : i32
    %dma_start3A_153 = tpu.memref_slice %arg4[%add3A_145, %dma_start3A_152] : memref<425984x32xf32, #tpu.memory_space<hbm>> -> memref<1024x32xf32, #tpu.memory_space<hbm>>
    %dma_start3A_154 = tpu.memref_slice %arg8[%dma_start3A_147] : memref<3x!tpu.dma_semaphore, #tpu.memory_space<semaphore_mem>> -> memref<1x!tpu.dma_semaphore, #tpu.memory_space<semaphore_mem>>
    %dma_start3A_155 = tpu.memref_squeeze %dma_start3A_154 : memref<1x!tpu.dma_semaphore, #tpu.memory_space<semaphore_mem>> -> memref<!tpu.dma_semaphore, #tpu.memory_space<semaphore_mem>>
    %dma_start3A_156 = arith.constant 0 : i32
    %dma_start3A_157 = tpu.memref_slice %arg4[%add3A_145, %dma_start3A_156] : memref<425984x32xf32, #tpu.memory_space<hbm>> -> memref<1024x32xf32, #tpu.memory_space<hbm>>
    %dma_start3A_158 = arith.constant 0 : i32
    %dma_start3A_159 = arith.constant 0 : i32
    %dma_start3A_160 = tpu.memref_slice %arg6[%dma_start3A_146, %dma_start3A_158, %dma_start3A_159] : memref<3x1024x32xf32, #tpu.memory_space<vmem>> -> memref<1x1024x32xf32, #tpu.memory_space<vmem>>
    %dma_start3A_161 = tpu.memref_squeeze %dma_start3A_160 : memref<1x1024x32xf32, #tpu.memory_space<vmem>> -> memref<1024x32xf32, #tpu.memory_space<vmem>>
    tpu.enqueue_dma source(%dma_start3A_161 : memref<1024x32xf32, #tpu.memory_space<vmem>>) target(%dma_start3A_157 : memref<1024x32xf32, #tpu.memory_space<hbm>>) target_semaphore(%dma_start3A_155 : memref<!tpu.dma_semaphore, #tpu.memory_space<semaphore_mem>>)
    %dma_wait3A_162 = arith.constant 1 : i32
    %dma_wait3A_163 = arith.constant 1 : i32
    %dma_wait3A_164 = arith.constant 0 : i32
    %dma_wait3A_165 = arith.constant 0 : i32
    %dma_wait3A_166 = tpu.memref_slice %arg6[%dma_wait3A_162, %dma_wait3A_164, %dma_wait3A_165] : memref<3x1024x32xf32, #tpu.memory_space<vmem>> -> memref<1x1024x32xf32, #tpu.memory_space<vmem>>
    %dma_wait3A_167 = tpu.memref_squeeze %dma_wait3A_166 : memref<1x1024x32xf32, #tpu.memory_space<vmem>> -> memref<1024x32xf32, #tpu.memory_space<vmem>>
    %dma_wait3A_168 = arith.constant 0 : i32
    %dma_wait3A_169 = tpu.memref_slice %arg4[%add3A_85, %dma_wait3A_168] : memref<425984x32xf32, #tpu.memory_space<hbm>> -> memref<1024x32xf32, #tpu.memory_space<hbm>>
    %dma_wait3A_170 = tpu.memref_slice %arg8[%dma_wait3A_163] : memref<3x!tpu.dma_semaphore, #tpu.memory_space<semaphore_mem>> -> memref<1x!tpu.dma_semaphore, #tpu.memory_space<semaphore_mem>>
    %dma_wait3A_171 = tpu.memref_squeeze %dma_wait3A_170 : memref<1x!tpu.dma_semaphore, #tpu.memory_space<semaphore_mem>> -> memref<!tpu.dma_semaphore, #tpu.memory_space<semaphore_mem>>
    %dma_wait3A_172 = arith.constant 0 : i32
    %dma_wait3A_173 = tpu.memref_slice %arg4[%add3A_85, %dma_wait3A_172] : memref<425984x32xf32, #tpu.memory_space<hbm>> -> memref<1024x32xf32, #tpu.memory_space<hbm>>
    %dma_wait3A_174 = arith.constant 0 : i32
    %dma_wait3A_175 = arith.constant 0 : i32
    %dma_wait3A_176 = tpu.memref_slice %arg6[%dma_wait3A_162, %dma_wait3A_174, %dma_wait3A_175] : memref<3x1024x32xf32, #tpu.memory_space<vmem>> -> memref<1x1024x32xf32, #tpu.memory_space<vmem>>
    %dma_wait3A_177 = tpu.memref_squeeze %dma_wait3A_176 : memref<1x1024x32xf32, #tpu.memory_space<vmem>> -> memref<1024x32xf32, #tpu.memory_space<vmem>>
    tpu.wait_dma2 semaphore(%dma_wait3A_171 : memref<!tpu.dma_semaphore, #tpu.memory_space<semaphore_mem>>) src(%dma_wait3A_177 : memref<1024x32xf32, #tpu.memory_space<vmem>>) dst(%dma_wait3A_173 : memref<1024x32xf32, #tpu.memory_space<hbm>>)
    %dma_start3A_178 = arith.constant 1 : i32
    %dma_start3A_179 = arith.constant 1 : i32
    %dma_start3A_180 = arith.constant 0 : i32
    %dma_start3A_181 = arith.constant 0 : i32
    %dma_start3A_182 = tpu.memref_slice %arg6[%dma_start3A_178, %dma_start3A_180, %dma_start3A_181] : memref<3x1024x32xf32, #tpu.memory_space<vmem>> -> memref<1x1024x32xf32, #tpu.memory_space<vmem>>
    %dma_start3A_183 = tpu.memref_squeeze %dma_start3A_182 : memref<1x1024x32xf32, #tpu.memory_space<vmem>> -> memref<1024x32xf32, #tpu.memory_space<vmem>>
    %dma_start3A_184 = arith.constant 4096 : i32
    %dma_start3A_185 = tpu.memref_slice %arg5[%dma_start3A_184] : memref<13312xi32, #tpu.memory_space<vmem>> -> memref<1024xi32, #tpu.memory_space<vmem>>
    %dma_start3A_186 = arith.constant 0 : i32
    %dma_start3A_187 = arith.constant 0 : i32
    %dma_start3A_188 = tpu.memref_slice %arg3[%dma_start3A_186, %dma_start3A_187] : memref<1015808x32xf32, #tpu.memory_space<hbm>> -> memref<1015808x32xf32, #tpu.memory_space<hbm>>
    %dma_start3A_189 = tpu.memref_slice %arg7[%dma_start3A_179] : memref<3x!tpu.dma_semaphore, #tpu.memory_space<semaphore_mem>> -> memref<1x!tpu.dma_semaphore, #tpu.memory_space<semaphore_mem>>
    %dma_start3A_190 = tpu.memref_squeeze %dma_start3A_189 : memref<1x!tpu.dma_semaphore, #tpu.memory_space<semaphore_mem>> -> memref<!tpu.dma_semaphore, #tpu.memory_space<semaphore_mem>>
    tpu.enqueue_indirect_dma source(%dma_start3A_188 : memref<1015808x32xf32, #tpu.memory_space<hbm>>) target(%dma_start3A_183 : memref<1024x32xf32, #tpu.memory_space<vmem>>) offsets(%dma_start3A_185 : memref<1024xi32, #tpu.memory_space<vmem>>) semaphore(%dma_start3A_190 : memref<!tpu.dma_semaphore, #tpu.memory_space<semaphore_mem>>)
    %dma_wait3A_191 = arith.constant 0 : i32
    %dma_wait3A_192 = arith.constant 0 : i32
    %dma_wait3A_193 = arith.constant 0 : i32
    %dma_wait3A_194 = arith.constant 0 : i32
    %dma_wait3A_195 = tpu.memref_slice %arg6[%dma_wait3A_191, %dma_wait3A_193, %dma_wait3A_194] : memref<3x1024x32xf32, #tpu.memory_space<vmem>> -> memref<1x1024x32xf32, #tpu.memory_space<vmem>>
    %dma_wait3A_196 = tpu.memref_squeeze %dma_wait3A_195 : memref<1x1024x32xf32, #tpu.memory_space<vmem>> -> memref<1024x32xf32, #tpu.memory_space<vmem>>
    %dma_wait3A_197 = arith.constant 3072 : i32
    %dma_wait3A_198 = tpu.memref_slice %arg5[%dma_wait3A_197] : memref<13312xi32, #tpu.memory_space<vmem>> -> memref<1024xi32, #tpu.memory_space<vmem>>
    %dma_wait3A_199 = arith.constant 0 : i32
    %dma_wait3A_200 = arith.constant 0 : i32
    %dma_wait3A_201 = tpu.memref_slice %arg3[%dma_wait3A_199, %dma_wait3A_200] : memref<1015808x32xf32, #tpu.memory_space<hbm>> -> memref<1015808x32xf32, #tpu.memory_space<hbm>>
    %dma_wait3A_202 = tpu.memref_slice %arg7[%dma_wait3A_192] : memref<3x!tpu.dma_semaphore, #tpu.memory_space<semaphore_mem>> -> memref<1x!tpu.dma_semaphore, #tpu.memory_space<semaphore_mem>>
    %dma_wait3A_203 = tpu.memref_squeeze %dma_wait3A_202 : memref<1x!tpu.dma_semaphore, #tpu.memory_space<semaphore_mem>> -> memref<!tpu.dma_semaphore, #tpu.memory_space<semaphore_mem>>
    tpu.wait_indirect_dma semaphore(%dma_wait3A_203 : memref<!tpu.dma_semaphore, #tpu.memory_space<semaphore_mem>>) src(%dma_wait3A_201 : memref<1015808x32xf32, #tpu.memory_space<hbm>>) dst(%dma_wait3A_196 : memref<1024x32xf32, #tpu.memory_space<vmem>>)
    %add3A_204 = arith.constant 3072 : i32
    %add3A_205 = arith.addi %mul3A_2, %add3A_204 : i32
    %dma_start3A_206 = arith.constant 0 : i32
    %dma_start3A_207 = arith.constant 0 : i32
    %dma_start3A_208 = arith.constant 0 : i32
    %dma_start3A_209 = arith.constant 0 : i32
    %dma_start3A_210 = tpu.memref_slice %arg6[%dma_start3A_206, %dma_start3A_208, %dma_start3A_209] : memref<3x1024x32xf32, #tpu.memory_space<vmem>> -> memref<1x1024x32xf32, #tpu.memory_space<vmem>>
    %dma_start3A_211 = tpu.memref_squeeze %dma_start3A_210 : memref<1x1024x32xf32, #tpu.memory_space<vmem>> -> memref<1024x32xf32, #tpu.memory_space<vmem>>
    %dma_start3A_212 = arith.constant 0 : i32
    %dma_start3A_213 = tpu.memref_slice %arg4[%add3A_205, %dma_start3A_212] : memref<425984x32xf32, #tpu.memory_space<hbm>> -> memref<1024x32xf32, #tpu.memory_space<hbm>>
    %dma_start3A_214 = tpu.memref_slice %arg8[%dma_start3A_207] : memref<3x!tpu.dma_semaphore, #tpu.memory_space<semaphore_mem>> -> memref<1x!tpu.dma_semaphore, #tpu.memory_space<semaphore_mem>>
    %dma_start3A_215 = tpu.memref_squeeze %dma_start3A_214 : memref<1x!tpu.dma_semaphore, #tpu.memory_space<semaphore_mem>> -> memref<!tpu.dma_semaphore, #tpu.memory_space<semaphore_mem>>
    %dma_start3A_216 = arith.constant 0 : i32
    %dma_start3A_217 = tpu.memref_slice %arg4[%add3A_205, %dma_start3A_216] : memref<425984x32xf32, #tpu.memory_space<hbm>> -> memref<1024x32xf32, #tpu.memory_space<hbm>>
    %dma_start3A_218 = arith.constant 0 : i32
    %dma_start3A_219 = arith.constant 0 : i32
    %dma_start3A_220 = tpu.memref_slice %arg6[%dma_start3A_206, %dma_start3A_218, %dma_start3A_219] : memref<3x1024x32xf32, #tpu.memory_space<vmem>> -> memref<1x1024x32xf32, #tpu.memory_space<vmem>>
    %dma_start3A_221 = tpu.memref_squeeze %dma_start3A_220 : memref<1x1024x32xf32, #tpu.memory_space<vmem>> -> memref<1024x32xf32, #tpu.memory_space<vmem>>
    tpu.enqueue_dma source(%dma_start3A_221 : memref<1024x32xf32, #tpu.memory_space<vmem>>) target(%dma_start3A_217 : memref<1024x32xf32, #tpu.memory_space<hbm>>) target_semaphore(%dma_start3A_215 : memref<!tpu.dma_semaphore, #tpu.memory_space<semaphore_mem>>)
    %dma_wait3A_222 = arith.constant 2 : i32
    %dma_wait3A_223 = arith.constant 2 : i32
    %dma_wait3A_224 = arith.constant 0 : i32
    %dma_wait3A_225 = arith.constant 0 : i32
    %dma_wait3A_226 = tpu.memref_slice %arg6[%dma_wait3A_222, %dma_wait3A_224, %dma_wait3A_225] : memref<3x1024x32xf32, #tpu.memory_space<vmem>> -> memref<1x1024x32xf32, #tpu.memory_space<vmem>>
    %dma_wait3A_227 = tpu.memref_squeeze %dma_wait3A_226 : memref<1x1024x32xf32, #tpu.memory_space<vmem>> -> memref<1024x32xf32, #tpu.memory_space<vmem>>
    %dma_wait3A_228 = arith.constant 0 : i32
    %dma_wait3A_229 = tpu.memref_slice %arg4[%add3A_145, %dma_wait3A_228] : memref<425984x32xf32, #tpu.memory_space<hbm>> -> memref<1024x32xf32, #tpu.memory_space<hbm>>
    %dma_wait3A_230 = tpu.memref_slice %arg8[%dma_wait3A_223] : memref<3x!tpu.dma_semaphore, #tpu.memory_space<semaphore_mem>> -> memref<1x!tpu.dma_semaphore, #tpu.memory_space<semaphore_mem>>
    %dma_wait3A_231 = tpu.memref_squeeze %dma_wait3A_230 : memref<1x!tpu.dma_semaphore, #tpu.memory_space<semaphore_mem>> -> memref<!tpu.dma_semaphore, #tpu.memory_space<semaphore_mem>>
    %dma_wait3A_232 = arith.constant 0 : i32
    %dma_wait3A_233 = tpu.memref_slice %arg4[%add3A_145, %dma_wait3A_232] : memref<425984x32xf32, #tpu.memory_space<hbm>> -> memref<1024x32xf32, #tpu.memory_space<hbm>>
    %dma_wait3A_234 = arith.constant 0 : i32
    %dma_wait3A_235 = arith.constant 0 : i32
    %dma_wait3A_236 = tpu.memref_slice %arg6[%dma_wait3A_222, %dma_wait3A_234, %dma_wait3A_235] : memref<3x1024x32xf32, #tpu.memory_space<vmem>> -> memref<1x1024x32xf32, #tpu.memory_space<vmem>>
    %dma_wait3A_237 = tpu.memref_squeeze %dma_wait3A_236 : memref<1x1024x32xf32, #tpu.memory_space<vmem>> -> memref<1024x32xf32, #tpu.memory_space<vmem>>
    tpu.wait_dma2 semaphore(%dma_wait3A_231 : memref<!tpu.dma_semaphore, #tpu.memory_space<semaphore_mem>>) src(%dma_wait3A_237 : memref<1024x32xf32, #tpu.memory_space<vmem>>) dst(%dma_wait3A_233 : memref<1024x32xf32, #tpu.memory_space<hbm>>)
    %dma_start3A_238 = arith.constant 2 : i32
    %dma_start3A_239 = arith.constant 2 : i32
    %dma_start3A_240 = arith.constant 0 : i32
    %dma_start3A_241 = arith.constant 0 : i32
    %dma_start3A_242 = tpu.memref_slice %arg6[%dma_start3A_238, %dma_start3A_240, %dma_start3A_241] : memref<3x1024x32xf32, #tpu.memory_space<vmem>> -> memref<1x1024x32xf32, #tpu.memory_space<vmem>>
    %dma_start3A_243 = tpu.memref_squeeze %dma_start3A_242 : memref<1x1024x32xf32, #tpu.memory_space<vmem>> -> memref<1024x32xf32, #tpu.memory_space<vmem>>
    %dma_start3A_244 = arith.constant 5120 : i32
    %dma_start3A_245 = tpu.memref_slice %arg5[%dma_start3A_244] : memref<13312xi32, #tpu.memory_space<vmem>> -> memref<1024xi32, #tpu.memory_space<vmem>>
    %dma_start3A_246 = arith.constant 0 : i32
    %dma_start3A_247 = arith.constant 0 : i32
    %dma_start3A_248 = tpu.memref_slice %arg3[%dma_start3A_246, %dma_start3A_247] : memref<1015808x32xf32, #tpu.memory_space<hbm>> -> memref<1015808x32xf32, #tpu.memory_space<hbm>>
    %dma_start3A_249 = tpu.memref_slice %arg7[%dma_start3A_239] : memref<3x!tpu.dma_semaphore, #tpu.memory_space<semaphore_mem>> -> memref<1x!tpu.dma_semaphore, #tpu.memory_space<semaphore_mem>>
    %dma_start3A_250 = tpu.memref_squeeze %dma_start3A_249 : memref<1x!tpu.dma_semaphore, #tpu.memory_space<semaphore_mem>> -> memref<!tpu.dma_semaphore, #tpu.memory_space<semaphore_mem>>
    tpu.enqueue_indirect_dma source(%dma_start3A_248 : memref<1015808x32xf32, #tpu.memory_space<hbm>>) target(%dma_start3A_243 : memref<1024x32xf32, #tpu.memory_space<vmem>>) offsets(%dma_start3A_245 : memref<1024xi32, #tpu.memory_space<vmem>>) semaphore(%dma_start3A_250 : memref<!tpu.dma_semaphore, #tpu.memory_space<semaphore_mem>>)
    %dma_wait3A_251 = arith.constant 1 : i32
    %dma_wait3A_252 = arith.constant 1 : i32
    %dma_wait3A_253 = arith.constant 0 : i32
    %dma_wait3A_254 = arith.constant 0 : i32
    %dma_wait3A_255 = tpu.memref_slice %arg6[%dma_wait3A_251, %dma_wait3A_253, %dma_wait3A_254] : memref<3x1024x32xf32, #tpu.memory_space<vmem>> -> memref<1x1024x32xf32, #tpu.memory_space<vmem>>
    %dma_wait3A_256 = tpu.memref_squeeze %dma_wait3A_255 : memref<1x1024x32xf32, #tpu.memory_space<vmem>> -> memref<1024x32xf32, #tpu.memory_space<vmem>>
    %dma_wait3A_257 = arith.constant 4096 : i32
    %dma_wait3A_258 = tpu.memref_slice %arg5[%dma_wait3A_257] : memref<13312xi32, #tpu.memory_space<vmem>> -> memref<1024xi32, #tpu.memory_space<vmem>>
    %dma_wait3A_259 = arith.constant 0 : i32
    %dma_wait3A_260 = arith.constant 0 : i32
    %dma_wait3A_261 = tpu.memref_slice %arg3[%dma_wait3A_259, %dma_wait3A_260] : memref<1015808x32xf32, #tpu.memory_space<hbm>> -> memref<1015808x32xf32, #tpu.memory_space<hbm>>
    %dma_wait3A_262 = tpu.memref_slice %arg7[%dma_wait3A_252] : memref<3x!tpu.dma_semaphore, #tpu.memory_space<semaphore_mem>> -> memref<1x!tpu.dma_semaphore, #tpu.memory_space<semaphore_mem>>
    %dma_wait3A_263 = tpu.memref_squeeze %dma_wait3A_262 : memref<1x!tpu.dma_semaphore, #tpu.memory_space<semaphore_mem>> -> memref<!tpu.dma_semaphore, #tpu.memory_space<semaphore_mem>>
    tpu.wait_indirect_dma semaphore(%dma_wait3A_263 : memref<!tpu.dma_semaphore, #tpu.memory_space<semaphore_mem>>) src(%dma_wait3A_261 : memref<1015808x32xf32, #tpu.memory_space<hbm>>) dst(%dma_wait3A_256 : memref<1024x32xf32, #tpu.memory_space<vmem>>)
    %add3A_264 = arith.constant 4096 : i32
    %add3A_265 = arith.addi %mul3A_2, %add3A_264 : i32
    %dma_start3A_266 = arith.constant 1 : i32
    %dma_start3A_267 = arith.constant 1 : i32
    %dma_start3A_268 = arith.constant 0 : i32
    %dma_start3A_269 = arith.constant 0 : i32
    %dma_start3A_270 = tpu.memref_slice %arg6[%dma_start3A_266, %dma_start3A_268, %dma_start3A_269] : memref<3x1024x32xf32, #tpu.memory_space<vmem>> -> memref<1x1024x32xf32, #tpu.memory_space<vmem>>
    %dma_start3A_271 = tpu.memref_squeeze %dma_start3A_270 : memref<1x1024x32xf32, #tpu.memory_space<vmem>> -> memref<1024x32xf32, #tpu.memory_space<vmem>>
    %dma_start3A_272 = arith.constant 0 : i32
    %dma_start3A_273 = tpu.memref_slice %arg4[%add3A_265, %dma_start3A_272] : memref<425984x32xf32, #tpu.memory_space<hbm>> -> memref<1024x32xf32, #tpu.memory_space<hbm>>
    %dma_start3A_274 = tpu.memref_slice %arg8[%dma_start3A_267] : memref<3x!tpu.dma_semaphore, #tpu.memory_space<semaphore_mem>> -> memref<1x!tpu.dma_semaphore, #tpu.memory_space<semaphore_mem>>
    %dma_start3A_275 = tpu.memref_squeeze %dma_start3A_274 : memref<1x!tpu.dma_semaphore, #tpu.memory_space<semaphore_mem>> -> memref<!tpu.dma_semaphore, #tpu.memory_space<semaphore_mem>>
    %dma_start3A_276 = arith.constant 0 : i32
    %dma_start3A_277 = tpu.memref_slice %arg4[%add3A_265, %dma_start3A_276] : memref<425984x32xf32, #tpu.memory_space<hbm>> -> memref<1024x32xf32, #tpu.memory_space<hbm>>
    %dma_start3A_278 = arith.constant 0 : i32
    %dma_start3A_279 = arith.constant 0 : i32
    %dma_start3A_280 = tpu.memref_slice %arg6[%dma_start3A_266, %dma_start3A_278, %dma_start3A_279] : memref<3x1024x32xf32, #tpu.memory_space<vmem>> -> memref<1x1024x32xf32, #tpu.memory_space<vmem>>
    %dma_start3A_281 = tpu.memref_squeeze %dma_start3A_280 : memref<1x1024x32xf32, #tpu.memory_space<vmem>> -> memref<1024x32xf32, #tpu.memory_space<vmem>>
    tpu.enqueue_dma source(%dma_start3A_281 : memref<1024x32xf32, #tpu.memory_space<vmem>>) target(%dma_start3A_277 : memref<1024x32xf32, #tpu.memory_space<hbm>>) target_semaphore(%dma_start3A_275 : memref<!tpu.dma_semaphore, #tpu.memory_space<semaphore_mem>>)
    %dma_wait3A_282 = arith.constant 0 : i32
    %dma_wait3A_283 = arith.constant 0 : i32
    %dma_wait3A_284 = arith.constant 0 : i32
    %dma_wait3A_285 = arith.constant 0 : i32
    %dma_wait3A_286 = tpu.memref_slice %arg6[%dma_wait3A_282, %dma_wait3A_284, %dma_wait3A_285] : memref<3x1024x32xf32, #tpu.memory_space<vmem>> -> memref<1x1024x32xf32, #tpu.memory_space<vmem>>
    %dma_wait3A_287 = tpu.memref_squeeze %dma_wait3A_286 : memref<1x1024x32xf32, #tpu.memory_space<vmem>> -> memref<1024x32xf32, #tpu.memory_space<vmem>>
    %dma_wait3A_288 = arith.constant 0 : i32
    %dma_wait3A_289 = tpu.memref_slice %arg4[%add3A_205, %dma_wait3A_288] : memref<425984x32xf32, #tpu.memory_space<hbm>> -> memref<1024x32xf32, #tpu.memory_space<hbm>>
    %dma_wait3A_290 = tpu.memref_slice %arg8[%dma_wait3A_283] : memref<3x!tpu.dma_semaphore, #tpu.memory_space<semaphore_mem>> -> memref<1x!tpu.dma_semaphore, #tpu.memory_space<semaphore_mem>>
    %dma_wait3A_291 = tpu.memref_squeeze %dma_wait3A_290 : memref<1x!tpu.dma_semaphore, #tpu.memory_space<semaphore_mem>> -> memref<!tpu.dma_semaphore, #tpu.memory_space<semaphore_mem>>
    %dma_wait3A_292 = arith.constant 0 : i32
    %dma_wait3A_293 = tpu.memref_slice %arg4[%add3A_205, %dma_wait3A_292] : memref<425984x32xf32, #tpu.memory_space<hbm>> -> memref<1024x32xf32, #tpu.memory_space<hbm>>
    %dma_wait3A_294 = arith.constant 0 : i32
    %dma_wait3A_295 = arith.constant 0 : i32
    %dma_wait3A_296 = tpu.memref_slice %arg6[%dma_wait3A_282, %dma_wait3A_294, %dma_wait3A_295] : memref<3x1024x32xf32, #tpu.memory_space<vmem>> -> memref<1x1024x32xf32, #tpu.memory_space<vmem>>
    %dma_wait3A_297 = tpu.memref_squeeze %dma_wait3A_296 : memref<1x1024x32xf32, #tpu.memory_space<vmem>> -> memref<1024x32xf32, #tpu.memory_space<vmem>>
    tpu.wait_dma2 semaphore(%dma_wait3A_291 : memref<!tpu.dma_semaphore, #tpu.memory_space<semaphore_mem>>) src(%dma_wait3A_297 : memref<1024x32xf32, #tpu.memory_space<vmem>>) dst(%dma_wait3A_293 : memref<1024x32xf32, #tpu.memory_space<hbm>>)
    %dma_start3A_298 = arith.constant 0 : i32
    %dma_start3A_299 = arith.constant 0 : i32
    %dma_start3A_300 = arith.constant 0 : i32
    %dma_start3A_301 = arith.constant 0 : i32
    %dma_start3A_302 = tpu.memref_slice %arg6[%dma_start3A_298, %dma_start3A_300, %dma_start3A_301] : memref<3x1024x32xf32, #tpu.memory_space<vmem>> -> memref<1x1024x32xf32, #tpu.memory_space<vmem>>
    %dma_start3A_303 = tpu.memref_squeeze %dma_start3A_302 : memref<1x1024x32xf32, #tpu.memory_space<vmem>> -> memref<1024x32xf32, #tpu.memory_space<vmem>>
    %dma_start3A_304 = arith.constant 6144 : i32
    %dma_start3A_305 = tpu.memref_slice %arg5[%dma_start3A_304] : memref<13312xi32, #tpu.memory_space<vmem>> -> memref<1024xi32, #tpu.memory_space<vmem>>
    %dma_start3A_306 = arith.constant 0 : i32
    %dma_start3A_307 = arith.constant 0 : i32
    %dma_start3A_308 = tpu.memref_slice %arg3[%dma_start3A_306, %dma_start3A_307] : memref<1015808x32xf32, #tpu.memory_space<hbm>> -> memref<1015808x32xf32, #tpu.memory_space<hbm>>
    %dma_start3A_309 = tpu.memref_slice %arg7[%dma_start3A_299] : memref<3x!tpu.dma_semaphore, #tpu.memory_space<semaphore_mem>> -> memref<1x!tpu.dma_semaphore, #tpu.memory_space<semaphore_mem>>
    %dma_start3A_310 = tpu.memref_squeeze %dma_start3A_309 : memref<1x!tpu.dma_semaphore, #tpu.memory_space<semaphore_mem>> -> memref<!tpu.dma_semaphore, #tpu.memory_space<semaphore_mem>>
    tpu.enqueue_indirect_dma source(%dma_start3A_308 : memref<1015808x32xf32, #tpu.memory_space<hbm>>) target(%dma_start3A_303 : memref<1024x32xf32, #tpu.memory_space<vmem>>) offsets(%dma_start3A_305 : memref<1024xi32, #tpu.memory_space<vmem>>) semaphore(%dma_start3A_310 : memref<!tpu.dma_semaphore, #tpu.memory_space<semaphore_mem>>)
    %dma_wait3A_311 = arith.constant 2 : i32
    %dma_wait3A_312 = arith.constant 2 : i32
    %dma_wait3A_313 = arith.constant 0 : i32
    %dma_wait3A_314 = arith.constant 0 : i32
    %dma_wait3A_315 = tpu.memref_slice %arg6[%dma_wait3A_311, %dma_wait3A_313, %dma_wait3A_314] : memref<3x1024x32xf32, #tpu.memory_space<vmem>> -> memref<1x1024x32xf32, #tpu.memory_space<vmem>>
    %dma_wait3A_316 = tpu.memref_squeeze %dma_wait3A_315 : memref<1x1024x32xf32, #tpu.memory_space<vmem>> -> memref<1024x32xf32, #tpu.memory_space<vmem>>
    %dma_wait3A_317 = arith.constant 5120 : i32
    %dma_wait3A_318 = tpu.memref_slice %arg5[%dma_wait3A_317] : memref<13312xi32, #tpu.memory_space<vmem>> -> memref<1024xi32, #tpu.memory_space<vmem>>
    %dma_wait3A_319 = arith.constant 0 : i32
    %dma_wait3A_320 = arith.constant 0 : i32
    %dma_wait3A_321 = tpu.memref_slice %arg3[%dma_wait3A_319, %dma_wait3A_320] : memref<1015808x32xf32, #tpu.memory_space<hbm>> -> memref<1015808x32xf32, #tpu.memory_space<hbm>>
    %dma_wait3A_322 = tpu.memref_slice %arg7[%dma_wait3A_312] : memref<3x!tpu.dma_semaphore, #tpu.memory_space<semaphore_mem>> -> memref<1x!tpu.dma_semaphore, #tpu.memory_space<semaphore_mem>>
    %dma_wait3A_323 = tpu.memref_squeeze %dma_wait3A_322 : memref<1x!tpu.dma_semaphore, #tpu.memory_space<semaphore_mem>> -> memref<!tpu.dma_semaphore, #tpu.memory_space<semaphore_mem>>
    tpu.wait_indirect_dma semaphore(%dma_wait3A_323 : memref<!tpu.dma_semaphore, #tpu.memory_space<semaphore_mem>>) src(%dma_wait3A_321 : memref<1015808x32xf32, #tpu.memory_space<hbm>>) dst(%dma_wait3A_316 : memref<1024x32xf32, #tpu.memory_space<vmem>>)
    %add3A_324 = arith.constant 5120 : i32
    %add3A_325 = arith.addi %mul3A_2, %add3A_324 : i32
    %dma_start3A_326 = arith.constant 2 : i32
    %dma_start3A_327 = arith.constant 2 : i32
    %dma_start3A_328 = arith.constant 0 : i32
    %dma_start3A_329 = arith.constant 0 : i32
    %dma_start3A_330 = tpu.memref_slice %arg6[%dma_start3A_326, %dma_start3A_328, %dma_start3A_329] : memref<3x1024x32xf32, #tpu.memory_space<vmem>> -> memref<1x1024x32xf32, #tpu.memory_space<vmem>>
    %dma_start3A_331 = tpu.memref_squeeze %dma_start3A_330 : memref<1x1024x32xf32, #tpu.memory_space<vmem>> -> memref<1024x32xf32, #tpu.memory_space<vmem>>
    %dma_start3A_332 = arith.constant 0 : i32
    %dma_start3A_333 = tpu.memref_slice %arg4[%add3A_325, %dma_start3A_332] : memref<425984x32xf32, #tpu.memory_space<hbm>> -> memref<1024x32xf32, #tpu.memory_space<hbm>>
    %dma_start3A_334 = tpu.memref_slice %arg8[%dma_start3A_327] : memref<3x!tpu.dma_semaphore, #tpu.memory_space<semaphore_mem>> -> memref<1x!tpu.dma_semaphore, #tpu.memory_space<semaphore_mem>>
    %dma_start3A_335 = tpu.memref_squeeze %dma_start3A_334 : memref<1x!tpu.dma_semaphore, #tpu.memory_space<semaphore_mem>> -> memref<!tpu.dma_semaphore, #tpu.memory_space<semaphore_mem>>
    %dma_start3A_336 = arith.constant 0 : i32
    %dma_start3A_337 = tpu.memref_slice %arg4[%add3A_325, %dma_start3A_336] : memref<425984x32xf32, #tpu.memory_space<hbm>> -> memref<1024x32xf32, #tpu.memory_space<hbm>>
    %dma_start3A_338 = arith.constant 0 : i32
    %dma_start3A_339 = arith.constant 0 : i32
    %dma_start3A_340 = tpu.memref_slice %arg6[%dma_start3A_326, %dma_start3A_338, %dma_start3A_339] : memref<3x1024x32xf32, #tpu.memory_space<vmem>> -> memref<1x1024x32xf32, #tpu.memory_space<vmem>>
    %dma_start3A_341 = tpu.memref_squeeze %dma_start3A_340 : memref<1x1024x32xf32, #tpu.memory_space<vmem>> -> memref<1024x32xf32, #tpu.memory_space<vmem>>
    tpu.enqueue_dma source(%dma_start3A_341 : memref<1024x32xf32, #tpu.memory_space<vmem>>) target(%dma_start3A_337 : memref<1024x32xf32, #tpu.memory_space<hbm>>) target_semaphore(%dma_start3A_335 : memref<!tpu.dma_semaphore, #tpu.memory_space<semaphore_mem>>)
    %dma_wait3A_342 = arith.constant 1 : i32
    %dma_wait3A_343 = arith.constant 1 : i32
    %dma_wait3A_344 = arith.constant 0 : i32
    %dma_wait3A_345 = arith.constant 0 : i32
    %dma_wait3A_346 = tpu.memref_slice %arg6[%dma_wait3A_342, %dma_wait3A_344, %dma_wait3A_345] : memref<3x1024x32xf32, #tpu.memory_space<vmem>> -> memref<1x1024x32xf32, #tpu.memory_space<vmem>>
    %dma_wait3A_347 = tpu.memref_squeeze %dma_wait3A_346 : memref<1x1024x32xf32, #tpu.memory_space<vmem>> -> memref<1024x32xf32, #tpu.memory_space<vmem>>
    %dma_wait3A_348 = arith.constant 0 : i32
    %dma_wait3A_349 = tpu.memref_slice %arg4[%add3A_265, %dma_wait3A_348] : memref<425984x32xf32, #tpu.memory_space<hbm>> -> memref<1024x32xf32, #tpu.memory_space<hbm>>
    %dma_wait3A_350 = tpu.memref_slice %arg8[%dma_wait3A_343] : memref<3x!tpu.dma_semaphore, #tpu.memory_space<semaphore_mem>> -> memref<1x!tpu.dma_semaphore, #tpu.memory_space<semaphore_mem>>
    %dma_wait3A_351 = tpu.memref_squeeze %dma_wait3A_350 : memref<1x!tpu.dma_semaphore, #tpu.memory_space<semaphore_mem>> -> memref<!tpu.dma_semaphore, #tpu.memory_space<semaphore_mem>>
    %dma_wait3A_352 = arith.constant 0 : i32
    %dma_wait3A_353 = tpu.memref_slice %arg4[%add3A_265, %dma_wait3A_352] : memref<425984x32xf32, #tpu.memory_space<hbm>> -> memref<1024x32xf32, #tpu.memory_space<hbm>>
    %dma_wait3A_354 = arith.constant 0 : i32
    %dma_wait3A_355 = arith.constant 0 : i32
    %dma_wait3A_356 = tpu.memref_slice %arg6[%dma_wait3A_342, %dma_wait3A_354, %dma_wait3A_355] : memref<3x1024x32xf32, #tpu.memory_space<vmem>> -> memref<1x1024x32xf32, #tpu.memory_space<vmem>>
    %dma_wait3A_357 = tpu.memref_squeeze %dma_wait3A_356 : memref<1x1024x32xf32, #tpu.memory_space<vmem>> -> memref<1024x32xf32, #tpu.memory_space<vmem>>
    tpu.wait_dma2 semaphore(%dma_wait3A_351 : memref<!tpu.dma_semaphore, #tpu.memory_space<semaphore_mem>>) src(%dma_wait3A_357 : memref<1024x32xf32, #tpu.memory_space<vmem>>) dst(%dma_wait3A_353 : memref<1024x32xf32, #tpu.memory_space<hbm>>)
    %dma_start3A_358 = arith.constant 1 : i32
    %dma_start3A_359 = arith.constant 1 : i32
    %dma_start3A_360 = arith.constant 0 : i32
    %dma_start3A_361 = arith.constant 0 : i32
    %dma_start3A_362 = tpu.memref_slice %arg6[%dma_start3A_358, %dma_start3A_360, %dma_start3A_361] : memref<3x1024x32xf32, #tpu.memory_space<vmem>> -> memref<1x1024x32xf32, #tpu.memory_space<vmem>>
    %dma_start3A_363 = tpu.memref_squeeze %dma_start3A_362 : memref<1x1024x32xf32, #tpu.memory_space<vmem>> -> memref<1024x32xf32, #tpu.memory_space<vmem>>
    %dma_start3A_364 = arith.constant 7168 : i32
    %dma_start3A_365 = tpu.memref_slice %arg5[%dma_start3A_364] : memref<13312xi32, #tpu.memory_space<vmem>> -> memref<1024xi32, #tpu.memory_space<vmem>>
    %dma_start3A_366 = arith.constant 0 : i32
    %dma_start3A_367 = arith.constant 0 : i32
    %dma_start3A_368 = tpu.memref_slice %arg3[%dma_start3A_366, %dma_start3A_367] : memref<1015808x32xf32, #tpu.memory_space<hbm>> -> memref<1015808x32xf32, #tpu.memory_space<hbm>>
    %dma_start3A_369 = tpu.memref_slice %arg7[%dma_start3A_359] : memref<3x!tpu.dma_semaphore, #tpu.memory_space<semaphore_mem>> -> memref<1x!tpu.dma_semaphore, #tpu.memory_space<semaphore_mem>>
    %dma_start3A_370 = tpu.memref_squeeze %dma_start3A_369 : memref<1x!tpu.dma_semaphore, #tpu.memory_space<semaphore_mem>> -> memref<!tpu.dma_semaphore, #tpu.memory_space<semaphore_mem>>
    tpu.enqueue_indirect_dma source(%dma_start3A_368 : memref<1015808x32xf32, #tpu.memory_space<hbm>>) target(%dma_start3A_363 : memref<1024x32xf32, #tpu.memory_space<vmem>>) offsets(%dma_start3A_365 : memref<1024xi32, #tpu.memory_space<vmem>>) semaphore(%dma_start3A_370 : memref<!tpu.dma_semaphore, #tpu.memory_space<semaphore_mem>>)
    %dma_wait3A_371 = arith.constant 0 : i32
    %dma_wait3A_372 = arith.constant 0 : i32
    %dma_wait3A_373 = arith.constant 0 : i32
    %dma_wait3A_374 = arith.constant 0 : i32
    %dma_wait3A_375 = tpu.memref_slice %arg6[%dma_wait3A_371, %dma_wait3A_373, %dma_wait3A_374] : memref<3x1024x32xf32, #tpu.memory_space<vmem>> -> memref<1x1024x32xf32, #tpu.memory_space<vmem>>
    %dma_wait3A_376 = tpu.memref_squeeze %dma_wait3A_375 : memref<1x1024x32xf32, #tpu.memory_space<vmem>> -> memref<1024x32xf32, #tpu.memory_space<vmem>>
    %dma_wait3A_377 = arith.constant 6144 : i32
    %dma_wait3A_378 = tpu.memref_slice %arg5[%dma_wait3A_377] : memref<13312xi32, #tpu.memory_space<vmem>> -> memref<1024xi32, #tpu.memory_space<vmem>>
    %dma_wait3A_379 = arith.constant 0 : i32
    %dma_wait3A_380 = arith.constant 0 : i32
    %dma_wait3A_381 = tpu.memref_slice %arg3[%dma_wait3A_379, %dma_wait3A_380] : memref<1015808x32xf32, #tpu.memory_space<hbm>> -> memref<1015808x32xf32, #tpu.memory_space<hbm>>
    %dma_wait3A_382 = tpu.memref_slice %arg7[%dma_wait3A_372] : memref<3x!tpu.dma_semaphore, #tpu.memory_space<semaphore_mem>> -> memref<1x!tpu.dma_semaphore, #tpu.memory_space<semaphore_mem>>
    %dma_wait3A_383 = tpu.memref_squeeze %dma_wait3A_382 : memref<1x!tpu.dma_semaphore, #tpu.memory_space<semaphore_mem>> -> memref<!tpu.dma_semaphore, #tpu.memory_space<semaphore_mem>>
    tpu.wait_indirect_dma semaphore(%dma_wait3A_383 : memref<!tpu.dma_semaphore, #tpu.memory_space<semaphore_mem>>) src(%dma_wait3A_381 : memref<1015808x32xf32, #tpu.memory_space<hbm>>) dst(%dma_wait3A_376 : memref<1024x32xf32, #tpu.memory_space<vmem>>)
    %add3A_384 = arith.constant 6144 : i32
    %add3A_385 = arith.addi %mul3A_2, %add3A_384 : i32
    %dma_start3A_386 = arith.constant 0 : i32
    %dma_start3A_387 = arith.constant 0 : i32
    %dma_start3A_388 = arith.constant 0 : i32
    %dma_start3A_389 = arith.constant 0 : i32
    %dma_start3A_390 = tpu.memref_slice %arg6[%dma_start3A_386, %dma_start3A_388, %dma_start3A_389] : memref<3x1024x32xf32, #tpu.memory_space<vmem>> -> memref<1x1024x32xf32, #tpu.memory_space<vmem>>
    %dma_start3A_391 = tpu.memref_squeeze %dma_start3A_390 : memref<1x1024x32xf32, #tpu.memory_space<vmem>> -> memref<1024x32xf32, #tpu.memory_space<vmem>>
    %dma_start3A_392 = arith.constant 0 : i32
    %dma_start3A_393 = tpu.memref_slice %arg4[%add3A_385, %dma_start3A_392] : memref<425984x32xf32, #tpu.memory_space<hbm>> -> memref<1024x32xf32, #tpu.memory_space<hbm>>
    %dma_start3A_394 = tpu.memref_slice %arg8[%dma_start3A_387] : memref<3x!tpu.dma_semaphore, #tpu.memory_space<semaphore_mem>> -> memref<1x!tpu.dma_semaphore, #tpu.memory_space<semaphore_mem>>
    %dma_start3A_395 = tpu.memref_squeeze %dma_start3A_394 : memref<1x!tpu.dma_semaphore, #tpu.memory_space<semaphore_mem>> -> memref<!tpu.dma_semaphore, #tpu.memory_space<semaphore_mem>>
    %dma_start3A_396 = arith.constant 0 : i32
    %dma_start3A_397 = tpu.memref_slice %arg4[%add3A_385, %dma_start3A_396] : memref<425984x32xf32, #tpu.memory_space<hbm>> -> memref<1024x32xf32, #tpu.memory_space<hbm>>
    %dma_start3A_398 = arith.constant 0 : i32
    %dma_start3A_399 = arith.constant 0 : i32
    %dma_start3A_400 = tpu.memref_slice %arg6[%dma_start3A_386, %dma_start3A_398, %dma_start3A_399] : memref<3x1024x32xf32, #tpu.memory_space<vmem>> -> memref<1x1024x32xf32, #tpu.memory_space<vmem>>
    %dma_start3A_401 = tpu.memref_squeeze %dma_start3A_400 : memref<1x1024x32xf32, #tpu.memory_space<vmem>> -> memref<1024x32xf32, #tpu.memory_space<vmem>>
    tpu.enqueue_dma source(%dma_start3A_401 : memref<1024x32xf32, #tpu.memory_space<vmem>>) target(%dma_start3A_397 : memref<1024x32xf32, #tpu.memory_space<hbm>>) target_semaphore(%dma_start3A_395 : memref<!tpu.dma_semaphore, #tpu.memory_space<semaphore_mem>>)
    %dma_wait3A_402 = arith.constant 2 : i32
    %dma_wait3A_403 = arith.constant 2 : i32
    %dma_wait3A_404 = arith.constant 0 : i32
    %dma_wait3A_405 = arith.constant 0 : i32
    %dma_wait3A_406 = tpu.memref_slice %arg6[%dma_wait3A_402, %dma_wait3A_404, %dma_wait3A_405] : memref<3x1024x32xf32, #tpu.memory_space<vmem>> -> memref<1x1024x32xf32, #tpu.memory_space<vmem>>
    %dma_wait3A_407 = tpu.memref_squeeze %dma_wait3A_406 : memref<1x1024x32xf32, #tpu.memory_space<vmem>> -> memref<1024x32xf32, #tpu.memory_space<vmem>>
    %dma_wait3A_408 = arith.constant 0 : i32
    %dma_wait3A_409 = tpu.memref_slice %arg4[%add3A_325, %dma_wait3A_408] : memref<425984x32xf32, #tpu.memory_space<hbm>> -> memref<1024x32xf32, #tpu.memory_space<hbm>>
    %dma_wait3A_410 = tpu.memref_slice %arg8[%dma_wait3A_403] : memref<3x!tpu.dma_semaphore, #tpu.memory_space<semaphore_mem>> -> memref<1x!tpu.dma_semaphore, #tpu.memory_space<semaphore_mem>>
    %dma_wait3A_411 = tpu.memref_squeeze %dma_wait3A_410 : memref<1x!tpu.dma_semaphore, #tpu.memory_space<semaphore_mem>> -> memref<!tpu.dma_semaphore, #tpu.memory_space<semaphore_mem>>
    %dma_wait3A_412 = arith.constant 0 : i32
    %dma_wait3A_413 = tpu.memref_slice %arg4[%add3A_325, %dma_wait3A_412] : memref<425984x32xf32, #tpu.memory_space<hbm>> -> memref<1024x32xf32, #tpu.memory_space<hbm>>
    %dma_wait3A_414 = arith.constant 0 : i32
    %dma_wait3A_415 = arith.constant 0 : i32
    %dma_wait3A_416 = tpu.memref_slice %arg6[%dma_wait3A_402, %dma_wait3A_414, %dma_wait3A_415] : memref<3x1024x32xf32, #tpu.memory_space<vmem>> -> memref<1x1024x32xf32, #tpu.memory_space<vmem>>
    %dma_wait3A_417 = tpu.memref_squeeze %dma_wait3A_416 : memref<1x1024x32xf32, #tpu.memory_space<vmem>> -> memref<1024x32xf32, #tpu.memory_space<vmem>>
    tpu.wait_dma2 semaphore(%dma_wait3A_411 : memref<!tpu.dma_semaphore, #tpu.memory_space<semaphore_mem>>) src(%dma_wait3A_417 : memref<1024x32xf32, #tpu.memory_space<vmem>>) dst(%dma_wait3A_413 : memref<1024x32xf32, #tpu.memory_space<hbm>>)
    %dma_start3A_418 = arith.constant 2 : i32
    %dma_start3A_419 = arith.constant 2 : i32
    %dma_start3A_420 = arith.constant 0 : i32
    %dma_start3A_421 = arith.constant 0 : i32
    %dma_start3A_422 = tpu.memref_slice %arg6[%dma_start3A_418, %dma_start3A_420, %dma_start3A_421] : memref<3x1024x32xf32, #tpu.memory_space<vmem>> -> memref<1x1024x32xf32, #tpu.memory_space<vmem>>
    %dma_start3A_423 = tpu.memref_squeeze %dma_start3A_422 : memref<1x1024x32xf32, #tpu.memory_space<vmem>> -> memref<1024x32xf32, #tpu.memory_space<vmem>>
    %dma_start3A_424 = arith.constant 8192 : i32
    %dma_start3A_425 = tpu.memref_slice %arg5[%dma_start3A_424] : memref<13312xi32, #tpu.memory_space<vmem>> -> memref<1024xi32, #tpu.memory_space<vmem>>
    %dma_start3A_426 = arith.constant 0 : i32
    %dma_start3A_427 = arith.constant 0 : i32
    %dma_start3A_428 = tpu.memref_slice %arg3[%dma_start3A_426, %dma_start3A_427] : memref<1015808x32xf32, #tpu.memory_space<hbm>> -> memref<1015808x32xf32, #tpu.memory_space<hbm>>
    %dma_start3A_429 = tpu.memref_slice %arg7[%dma_start3A_419] : memref<3x!tpu.dma_semaphore, #tpu.memory_space<semaphore_mem>> -> memref<1x!tpu.dma_semaphore, #tpu.memory_space<semaphore_mem>>
    %dma_start3A_430 = tpu.memref_squeeze %dma_start3A_429 : memref<1x!tpu.dma_semaphore, #tpu.memory_space<semaphore_mem>> -> memref<!tpu.dma_semaphore, #tpu.memory_space<semaphore_mem>>
    tpu.enqueue_indirect_dma source(%dma_start3A_428 : memref<1015808x32xf32, #tpu.memory_space<hbm>>) target(%dma_start3A_423 : memref<1024x32xf32, #tpu.memory_space<vmem>>) offsets(%dma_start3A_425 : memref<1024xi32, #tpu.memory_space<vmem>>) semaphore(%dma_start3A_430 : memref<!tpu.dma_semaphore, #tpu.memory_space<semaphore_mem>>)
    %dma_wait3A_431 = arith.constant 1 : i32
    %dma_wait3A_432 = arith.constant 1 : i32
    %dma_wait3A_433 = arith.constant 0 : i32
    %dma_wait3A_434 = arith.constant 0 : i32
    %dma_wait3A_435 = tpu.memref_slice %arg6[%dma_wait3A_431, %dma_wait3A_433, %dma_wait3A_434] : memref<3x1024x32xf32, #tpu.memory_space<vmem>> -> memref<1x1024x32xf32, #tpu.memory_space<vmem>>
    %dma_wait3A_436 = tpu.memref_squeeze %dma_wait3A_435 : memref<1x1024x32xf32, #tpu.memory_space<vmem>> -> memref<1024x32xf32, #tpu.memory_space<vmem>>
    %dma_wait3A_437 = arith.constant 7168 : i32
    %dma_wait3A_438 = tpu.memref_slice %arg5[%dma_wait3A_437] : memref<13312xi32, #tpu.memory_space<vmem>> -> memref<1024xi32, #tpu.memory_space<vmem>>
    %dma_wait3A_439 = arith.constant 0 : i32
    %dma_wait3A_440 = arith.constant 0 : i32
    %dma_wait3A_441 = tpu.memref_slice %arg3[%dma_wait3A_439, %dma_wait3A_440] : memref<1015808x32xf32, #tpu.memory_space<hbm>> -> memref<1015808x32xf32, #tpu.memory_space<hbm>>
    %dma_wait3A_442 = tpu.memref_slice %arg7[%dma_wait3A_432] : memref<3x!tpu.dma_semaphore, #tpu.memory_space<semaphore_mem>> -> memref<1x!tpu.dma_semaphore, #tpu.memory_space<semaphore_mem>>
    %dma_wait3A_443 = tpu.memref_squeeze %dma_wait3A_442 : memref<1x!tpu.dma_semaphore, #tpu.memory_space<semaphore_mem>> -> memref<!tpu.dma_semaphore, #tpu.memory_space<semaphore_mem>>
    tpu.wait_indirect_dma semaphore(%dma_wait3A_443 : memref<!tpu.dma_semaphore, #tpu.memory_space<semaphore_mem>>) src(%dma_wait3A_441 : memref<1015808x32xf32, #tpu.memory_space<hbm>>) dst(%dma_wait3A_436 : memref<1024x32xf32, #tpu.memory_space<vmem>>)
    %add3A_444 = arith.constant 7168 : i32
    %add3A_445 = arith.addi %mul3A_2, %add3A_444 : i32
    %dma_start3A_446 = arith.constant 1 : i32
    %dma_start3A_447 = arith.constant 1 : i32
    %dma_start3A_448 = arith.constant 0 : i32
    %dma_start3A_449 = arith.constant 0 : i32
    %dma_start3A_450 = tpu.memref_slice %arg6[%dma_start3A_446, %dma_start3A_448, %dma_start3A_449] : memref<3x1024x32xf32, #tpu.memory_space<vmem>> -> memref<1x1024x32xf32, #tpu.memory_space<vmem>>
    %dma_start3A_451 = tpu.memref_squeeze %dma_start3A_450 : memref<1x1024x32xf32, #tpu.memory_space<vmem>> -> memref<1024x32xf32, #tpu.memory_space<vmem>>
    %dma_start3A_452 = arith.constant 0 : i32
    %dma_start3A_453 = tpu.memref_slice %arg4[%add3A_445, %dma_start3A_452] : memref<425984x32xf32, #tpu.memory_space<hbm>> -> memref<1024x32xf32, #tpu.memory_space<hbm>>
    %dma_start3A_454 = tpu.memref_slice %arg8[%dma_start3A_447] : memref<3x!tpu.dma_semaphore, #tpu.memory_space<semaphore_mem>> -> memref<1x!tpu.dma_semaphore, #tpu.memory_space<semaphore_mem>>
    %dma_start3A_455 = tpu.memref_squeeze %dma_start3A_454 : memref<1x!tpu.dma_semaphore, #tpu.memory_space<semaphore_mem>> -> memref<!tpu.dma_semaphore, #tpu.memory_space<semaphore_mem>>
    %dma_start3A_456 = arith.constant 0 : i32
    %dma_start3A_457 = tpu.memref_slice %arg4[%add3A_445, %dma_start3A_456] : memref<425984x32xf32, #tpu.memory_space<hbm>> -> memref<1024x32xf32, #tpu.memory_space<hbm>>
    %dma_start3A_458 = arith.constant 0 : i32
    %dma_start3A_459 = arith.constant 0 : i32
    %dma_start3A_460 = tpu.memref_slice %arg6[%dma_start3A_446, %dma_start3A_458, %dma_start3A_459] : memref<3x1024x32xf32, #tpu.memory_space<vmem>> -> memref<1x1024x32xf32, #tpu.memory_space<vmem>>
    %dma_start3A_461 = tpu.memref_squeeze %dma_start3A_460 : memref<1x1024x32xf32, #tpu.memory_space<vmem>> -> memref<1024x32xf32, #tpu.memory_space<vmem>>
    tpu.enqueue_dma source(%dma_start3A_461 : memref<1024x32xf32, #tpu.memory_space<vmem>>) target(%dma_start3A_457 : memref<1024x32xf32, #tpu.memory_space<hbm>>) target_semaphore(%dma_start3A_455 : memref<!tpu.dma_semaphore, #tpu.memory_space<semaphore_mem>>)
    %dma_wait3A_462 = arith.constant 0 : i32
    %dma_wait3A_463 = arith.constant 0 : i32
    %dma_wait3A_464 = arith.constant 0 : i32
    %dma_wait3A_465 = arith.constant 0 : i32
    %dma_wait3A_466 = tpu.memref_slice %arg6[%dma_wait3A_462, %dma_wait3A_464, %dma_wait3A_465] : memref<3x1024x32xf32, #tpu.memory_space<vmem>> -> memref<1x1024x32xf32, #tpu.memory_space<vmem>>
    %dma_wait3A_467 = tpu.memref_squeeze %dma_wait3A_466 : memref<1x1024x32xf32, #tpu.memory_space<vmem>> -> memref<1024x32xf32, #tpu.memory_space<vmem>>
    %dma_wait3A_468 = arith.constant 0 : i32
    %dma_wait3A_469 = tpu.memref_slice %arg4[%add3A_385, %dma_wait3A_468] : memref<425984x32xf32, #tpu.memory_space<hbm>> -> memref<1024x32xf32, #tpu.memory_space<hbm>>
    %dma_wait3A_470 = tpu.memref_slice %arg8[%dma_wait3A_463] : memref<3x!tpu.dma_semaphore, #tpu.memory_space<semaphore_mem>> -> memref<1x!tpu.dma_semaphore, #tpu.memory_space<semaphore_mem>>
    %dma_wait3A_471 = tpu.memref_squeeze %dma_wait3A_470 : memref<1x!tpu.dma_semaphore, #tpu.memory_space<semaphore_mem>> -> memref<!tpu.dma_semaphore, #tpu.memory_space<semaphore_mem>>
    %dma_wait3A_472 = arith.constant 0 : i32
    %dma_wait3A_473 = tpu.memref_slice %arg4[%add3A_385, %dma_wait3A_472] : memref<425984x32xf32, #tpu.memory_space<hbm>> -> memref<1024x32xf32, #tpu.memory_space<hbm>>
    %dma_wait3A_474 = arith.constant 0 : i32
    %dma_wait3A_475 = arith.constant 0 : i32
    %dma_wait3A_476 = tpu.memref_slice %arg6[%dma_wait3A_462, %dma_wait3A_474, %dma_wait3A_475] : memref<3x1024x32xf32, #tpu.memory_space<vmem>> -> memref<1x1024x32xf32, #tpu.memory_space<vmem>>
    %dma_wait3A_477 = tpu.memref_squeeze %dma_wait3A_476 : memref<1x1024x32xf32, #tpu.memory_space<vmem>> -> memref<1024x32xf32, #tpu.memory_space<vmem>>
    tpu.wait_dma2 semaphore(%dma_wait3A_471 : memref<!tpu.dma_semaphore, #tpu.memory_space<semaphore_mem>>) src(%dma_wait3A_477 : memref<1024x32xf32, #tpu.memory_space<vmem>>) dst(%dma_wait3A_473 : memref<1024x32xf32, #tpu.memory_space<hbm>>)
    %dma_start3A_478 = arith.constant 0 : i32
    %dma_start3A_479 = arith.constant 0 : i32
    %dma_start3A_480 = arith.constant 0 : i32
    %dma_start3A_481 = arith.constant 0 : i32
    %dma_start3A_482 = tpu.memref_slice %arg6[%dma_start3A_478, %dma_start3A_480, %dma_start3A_481] : memref<3x1024x32xf32, #tpu.memory_space<vmem>> -> memref<1x1024x32xf32, #tpu.memory_space<vmem>>
    %dma_start3A_483 = tpu.memref_squeeze %dma_start3A_482 : memref<1x1024x32xf32, #tpu.memory_space<vmem>> -> memref<1024x32xf32, #tpu.memory_space<vmem>>
    %dma_start3A_484 = arith.constant 9216 : i32
    %dma_start3A_485 = tpu.memref_slice %arg5[%dma_start3A_484] : memref<13312xi32, #tpu.memory_space<vmem>> -> memref<1024xi32, #tpu.memory_space<vmem>>
    %dma_start3A_486 = arith.constant 0 : i32
    %dma_start3A_487 = arith.constant 0 : i32
    %dma_start3A_488 = tpu.memref_slice %arg3[%dma_start3A_486, %dma_start3A_487] : memref<1015808x32xf32, #tpu.memory_space<hbm>> -> memref<1015808x32xf32, #tpu.memory_space<hbm>>
    %dma_start3A_489 = tpu.memref_slice %arg7[%dma_start3A_479] : memref<3x!tpu.dma_semaphore, #tpu.memory_space<semaphore_mem>> -> memref<1x!tpu.dma_semaphore, #tpu.memory_space<semaphore_mem>>
    %dma_start3A_490 = tpu.memref_squeeze %dma_start3A_489 : memref<1x!tpu.dma_semaphore, #tpu.memory_space<semaphore_mem>> -> memref<!tpu.dma_semaphore, #tpu.memory_space<semaphore_mem>>
    tpu.enqueue_indirect_dma source(%dma_start3A_488 : memref<1015808x32xf32, #tpu.memory_space<hbm>>) target(%dma_start3A_483 : memref<1024x32xf32, #tpu.memory_space<vmem>>) offsets(%dma_start3A_485 : memref<1024xi32, #tpu.memory_space<vmem>>) semaphore(%dma_start3A_490 : memref<!tpu.dma_semaphore, #tpu.memory_space<semaphore_mem>>)
    %dma_wait3A_491 = arith.constant 2 : i32
    %dma_wait3A_492 = arith.constant 2 : i32
    %dma_wait3A_493 = arith.constant 0 : i32
    %dma_wait3A_494 = arith.constant 0 : i32
    %dma_wait3A_495 = tpu.memref_slice %arg6[%dma_wait3A_491, %dma_wait3A_493, %dma_wait3A_494] : memref<3x1024x32xf32, #tpu.memory_space<vmem>> -> memref<1x1024x32xf32, #tpu.memory_space<vmem>>
    %dma_wait3A_496 = tpu.memref_squeeze %dma_wait3A_495 : memref<1x1024x32xf32, #tpu.memory_space<vmem>> -> memref<1024x32xf32, #tpu.memory_space<vmem>>
    %dma_wait3A_497 = arith.constant 8192 : i32
    %dma_wait3A_498 = tpu.memref_slice %arg5[%dma_wait3A_497] : memref<13312xi32, #tpu.memory_space<vmem>> -> memref<1024xi32, #tpu.memory_space<vmem>>
    %dma_wait3A_499 = arith.constant 0 : i32
    %dma_wait3A_500 = arith.constant 0 : i32
    %dma_wait3A_501 = tpu.memref_slice %arg3[%dma_wait3A_499, %dma_wait3A_500] : memref<1015808x32xf32, #tpu.memory_space<hbm>> -> memref<1015808x32xf32, #tpu.memory_space<hbm>>
    %dma_wait3A_502 = tpu.memref_slice %arg7[%dma_wait3A_492] : memref<3x!tpu.dma_semaphore, #tpu.memory_space<semaphore_mem>> -> memref<1x!tpu.dma_semaphore, #tpu.memory_space<semaphore_mem>>
    %dma_wait3A_503 = tpu.memref_squeeze %dma_wait3A_502 : memref<1x!tpu.dma_semaphore, #tpu.memory_space<semaphore_mem>> -> memref<!tpu.dma_semaphore, #tpu.memory_space<semaphore_mem>>
    tpu.wait_indirect_dma semaphore(%dma_wait3A_503 : memref<!tpu.dma_semaphore, #tpu.memory_space<semaphore_mem>>) src(%dma_wait3A_501 : memref<1015808x32xf32, #tpu.memory_space<hbm>>) dst(%dma_wait3A_496 : memref<1024x32xf32, #tpu.memory_space<vmem>>)
    %add3A_504 = arith.constant 8192 : i32
    %add3A_505 = arith.addi %mul3A_2, %add3A_504 : i32
    %dma_start3A_506 = arith.constant 2 : i32
    %dma_start3A_507 = arith.constant 2 : i32
    %dma_start3A_508 = arith.constant 0 : i32
    %dma_start3A_509 = arith.constant 0 : i32
    %dma_start3A_510 = tpu.memref_slice %arg6[%dma_start3A_506, %dma_start3A_508, %dma_start3A_509] : memref<3x1024x32xf32, #tpu.memory_space<vmem>> -> memref<1x1024x32xf32, #tpu.memory_space<vmem>>
    %dma_start3A_511 = tpu.memref_squeeze %dma_start3A_510 : memref<1x1024x32xf32, #tpu.memory_space<vmem>> -> memref<1024x32xf32, #tpu.memory_space<vmem>>
    %dma_start3A_512 = arith.constant 0 : i32
    %dma_start3A_513 = tpu.memref_slice %arg4[%add3A_505, %dma_start3A_512] : memref<425984x32xf32, #tpu.memory_space<hbm>> -> memref<1024x32xf32, #tpu.memory_space<hbm>>
    %dma_start3A_514 = tpu.memref_slice %arg8[%dma_start3A_507] : memref<3x!tpu.dma_semaphore, #tpu.memory_space<semaphore_mem>> -> memref<1x!tpu.dma_semaphore, #tpu.memory_space<semaphore_mem>>
    %dma_start3A_515 = tpu.memref_squeeze %dma_start3A_514 : memref<1x!tpu.dma_semaphore, #tpu.memory_space<semaphore_mem>> -> memref<!tpu.dma_semaphore, #tpu.memory_space<semaphore_mem>>
    %dma_start3A_516 = arith.constant 0 : i32
    %dma_start3A_517 = tpu.memref_slice %arg4[%add3A_505, %dma_start3A_516] : memref<425984x32xf32, #tpu.memory_space<hbm>> -> memref<1024x32xf32, #tpu.memory_space<hbm>>
    %dma_start3A_518 = arith.constant 0 : i32
    %dma_start3A_519 = arith.constant 0 : i32
    %dma_start3A_520 = tpu.memref_slice %arg6[%dma_start3A_506, %dma_start3A_518, %dma_start3A_519] : memref<3x1024x32xf32, #tpu.memory_space<vmem>> -> memref<1x1024x32xf32, #tpu.memory_space<vmem>>
    %dma_start3A_521 = tpu.memref_squeeze %dma_start3A_520 : memref<1x1024x32xf32, #tpu.memory_space<vmem>> -> memref<1024x32xf32, #tpu.memory_space<vmem>>
    tpu.enqueue_dma source(%dma_start3A_521 : memref<1024x32xf32, #tpu.memory_space<vmem>>) target(%dma_start3A_517 : memref<1024x32xf32, #tpu.memory_space<hbm>>) target_semaphore(%dma_start3A_515 : memref<!tpu.dma_semaphore, #tpu.memory_space<semaphore_mem>>)
    %dma_wait3A_522 = arith.constant 1 : i32
    %dma_wait3A_523 = arith.constant 1 : i32
    %dma_wait3A_524 = arith.constant 0 : i32
    %dma_wait3A_525 = arith.constant 0 : i32
    %dma_wait3A_526 = tpu.memref_slice %arg6[%dma_wait3A_522, %dma_wait3A_524, %dma_wait3A_525] : memref<3x1024x32xf32, #tpu.memory_space<vmem>> -> memref<1x1024x32xf32, #tpu.memory_space<vmem>>
    %dma_wait3A_527 = tpu.memref_squeeze %dma_wait3A_526 : memref<1x1024x32xf32, #tpu.memory_space<vmem>> -> memref<1024x32xf32, #tpu.memory_space<vmem>>
    %dma_wait3A_528 = arith.constant 0 : i32
    %dma_wait3A_529 = tpu.memref_slice %arg4[%add3A_445, %dma_wait3A_528] : memref<425984x32xf32, #tpu.memory_space<hbm>> -> memref<1024x32xf32, #tpu.memory_space<hbm>>
    %dma_wait3A_530 = tpu.memref_slice %arg8[%dma_wait3A_523] : memref<3x!tpu.dma_semaphore, #tpu.memory_space<semaphore_mem>> -> memref<1x!tpu.dma_semaphore, #tpu.memory_space<semaphore_mem>>
    %dma_wait3A_531 = tpu.memref_squeeze %dma_wait3A_530 : memref<1x!tpu.dma_semaphore, #tpu.memory_space<semaphore_mem>> -> memref<!tpu.dma_semaphore, #tpu.memory_space<semaphore_mem>>
    %dma_wait3A_532 = arith.constant 0 : i32
    %dma_wait3A_533 = tpu.memref_slice %arg4[%add3A_445, %dma_wait3A_532] : memref<425984x32xf32, #tpu.memory_space<hbm>> -> memref<1024x32xf32, #tpu.memory_space<hbm>>
    %dma_wait3A_534 = arith.constant 0 : i32
    %dma_wait3A_535 = arith.constant 0 : i32
    %dma_wait3A_536 = tpu.memref_slice %arg6[%dma_wait3A_522, %dma_wait3A_534, %dma_wait3A_535] : memref<3x1024x32xf32, #tpu.memory_space<vmem>> -> memref<1x1024x32xf32, #tpu.memory_space<vmem>>
    %dma_wait3A_537 = tpu.memref_squeeze %dma_wait3A_536 : memref<1x1024x32xf32, #tpu.memory_space<vmem>> -> memref<1024x32xf32, #tpu.memory_space<vmem>>
    tpu.wait_dma2 semaphore(%dma_wait3A_531 : memref<!tpu.dma_semaphore, #tpu.memory_space<semaphore_mem>>) src(%dma_wait3A_537 : memref<1024x32xf32, #tpu.memory_space<vmem>>) dst(%dma_wait3A_533 : memref<1024x32xf32, #tpu.memory_space<hbm>>)
    %dma_start3A_538 = arith.constant 1 : i32
    %dma_start3A_539 = arith.constant 1 : i32
    %dma_start3A_540 = arith.constant 0 : i32
    %dma_start3A_541 = arith.constant 0 : i32
    %dma_start3A_542 = tpu.memref_slice %arg6[%dma_start3A_538, %dma_start3A_540, %dma_start3A_541] : memref<3x1024x32xf32, #tpu.memory_space<vmem>> -> memref<1x1024x32xf32, #tpu.memory_space<vmem>>
    %dma_start3A_543 = tpu.memref_squeeze %dma_start3A_542 : memref<1x1024x32xf32, #tpu.memory_space<vmem>> -> memref<1024x32xf32, #tpu.memory_space<vmem>>
    %dma_start3A_544 = arith.constant 10240 : i32
    %dma_start3A_545 = tpu.memref_slice %arg5[%dma_start3A_544] : memref<13312xi32, #tpu.memory_space<vmem>> -> memref<1024xi32, #tpu.memory_space<vmem>>
    %dma_start3A_546 = arith.constant 0 : i32
    %dma_start3A_547 = arith.constant 0 : i32
    %dma_start3A_548 = tpu.memref_slice %arg3[%dma_start3A_546, %dma_start3A_547] : memref<1015808x32xf32, #tpu.memory_space<hbm>> -> memref<1015808x32xf32, #tpu.memory_space<hbm>>
    %dma_start3A_549 = tpu.memref_slice %arg7[%dma_start3A_539] : memref<3x!tpu.dma_semaphore, #tpu.memory_space<semaphore_mem>> -> memref<1x!tpu.dma_semaphore, #tpu.memory_space<semaphore_mem>>
    %dma_start3A_550 = tpu.memref_squeeze %dma_start3A_549 : memref<1x!tpu.dma_semaphore, #tpu.memory_space<semaphore_mem>> -> memref<!tpu.dma_semaphore, #tpu.memory_space<semaphore_mem>>
    tpu.enqueue_indirect_dma source(%dma_start3A_548 : memref<1015808x32xf32, #tpu.memory_space<hbm>>) target(%dma_start3A_543 : memref<1024x32xf32, #tpu.memory_space<vmem>>) offsets(%dma_start3A_545 : memref<1024xi32, #tpu.memory_space<vmem>>) semaphore(%dma_start3A_550 : memref<!tpu.dma_semaphore, #tpu.memory_space<semaphore_mem>>)
    %dma_wait3A_551 = arith.constant 0 : i32
    %dma_wait3A_552 = arith.constant 0 : i32
    %dma_wait3A_553 = arith.constant 0 : i32
    %dma_wait3A_554 = arith.constant 0 : i32
    %dma_wait3A_555 = tpu.memref_slice %arg6[%dma_wait3A_551, %dma_wait3A_553, %dma_wait3A_554] : memref<3x1024x32xf32, #tpu.memory_space<vmem>> -> memref<1x1024x32xf32, #tpu.memory_space<vmem>>
    %dma_wait3A_556 = tpu.memref_squeeze %dma_wait3A_555 : memref<1x1024x32xf32, #tpu.memory_space<vmem>> -> memref<1024x32xf32, #tpu.memory_space<vmem>>
    %dma_wait3A_557 = arith.constant 9216 : i32
    %dma_wait3A_558 = tpu.memref_slice %arg5[%dma_wait3A_557] : memref<13312xi32, #tpu.memory_space<vmem>> -> memref<1024xi32, #tpu.memory_space<vmem>>
    %dma_wait3A_559 = arith.constant 0 : i32
    %dma_wait3A_560 = arith.constant 0 : i32
    %dma_wait3A_561 = tpu.memref_slice %arg3[%dma_wait3A_559, %dma_wait3A_560] : memref<1015808x32xf32, #tpu.memory_space<hbm>> -> memref<1015808x32xf32, #tpu.memory_space<hbm>>
    %dma_wait3A_562 = tpu.memref_slice %arg7[%dma_wait3A_552] : memref<3x!tpu.dma_semaphore, #tpu.memory_space<semaphore_mem>> -> memref<1x!tpu.dma_semaphore, #tpu.memory_space<semaphore_mem>>
    %dma_wait3A_563 = tpu.memref_squeeze %dma_wait3A_562 : memref<1x!tpu.dma_semaphore, #tpu.memory_space<semaphore_mem>> -> memref<!tpu.dma_semaphore, #tpu.memory_space<semaphore_mem>>
    tpu.wait_indirect_dma semaphore(%dma_wait3A_563 : memref<!tpu.dma_semaphore, #tpu.memory_space<semaphore_mem>>) src(%dma_wait3A_561 : memref<1015808x32xf32, #tpu.memory_space<hbm>>) dst(%dma_wait3A_556 : memref<1024x32xf32, #tpu.memory_space<vmem>>)
    %add3A_564 = arith.constant 9216 : i32
    %add3A_565 = arith.addi %mul3A_2, %add3A_564 : i32
    %dma_start3A_566 = arith.constant 0 : i32
    %dma_start3A_567 = arith.constant 0 : i32
    %dma_start3A_568 = arith.constant 0 : i32
    %dma_start3A_569 = arith.constant 0 : i32
    %dma_start3A_570 = tpu.memref_slice %arg6[%dma_start3A_566, %dma_start3A_568, %dma_start3A_569] : memref<3x1024x32xf32, #tpu.memory_space<vmem>> -> memref<1x1024x32xf32, #tpu.memory_space<vmem>>
    %dma_start3A_571 = tpu.memref_squeeze %dma_start3A_570 : memref<1x1024x32xf32, #tpu.memory_space<vmem>> -> memref<1024x32xf32, #tpu.memory_space<vmem>>
    %dma_start3A_572 = arith.constant 0 : i32
    %dma_start3A_573 = tpu.memref_slice %arg4[%add3A_565, %dma_start3A_572] : memref<425984x32xf32, #tpu.memory_space<hbm>> -> memref<1024x32xf32, #tpu.memory_space<hbm>>
    %dma_start3A_574 = tpu.memref_slice %arg8[%dma_start3A_567] : memref<3x!tpu.dma_semaphore, #tpu.memory_space<semaphore_mem>> -> memref<1x!tpu.dma_semaphore, #tpu.memory_space<semaphore_mem>>
    %dma_start3A_575 = tpu.memref_squeeze %dma_start3A_574 : memref<1x!tpu.dma_semaphore, #tpu.memory_space<semaphore_mem>> -> memref<!tpu.dma_semaphore, #tpu.memory_space<semaphore_mem>>
    %dma_start3A_576 = arith.constant 0 : i32
    %dma_start3A_577 = tpu.memref_slice %arg4[%add3A_565, %dma_start3A_576] : memref<425984x32xf32, #tpu.memory_space<hbm>> -> memref<1024x32xf32, #tpu.memory_space<hbm>>
    %dma_start3A_578 = arith.constant 0 : i32
    %dma_start3A_579 = arith.constant 0 : i32
    %dma_start3A_580 = tpu.memref_slice %arg6[%dma_start3A_566, %dma_start3A_578, %dma_start3A_579] : memref<3x1024x32xf32, #tpu.memory_space<vmem>> -> memref<1x1024x32xf32, #tpu.memory_space<vmem>>
    %dma_start3A_581 = tpu.memref_squeeze %dma_start3A_580 : memref<1x1024x32xf32, #tpu.memory_space<vmem>> -> memref<1024x32xf32, #tpu.memory_space<vmem>>
    tpu.enqueue_dma source(%dma_start3A_581 : memref<1024x32xf32, #tpu.memory_space<vmem>>) target(%dma_start3A_577 : memref<1024x32xf32, #tpu.memory_space<hbm>>) target_semaphore(%dma_start3A_575 : memref<!tpu.dma_semaphore, #tpu.memory_space<semaphore_mem>>)
    %dma_wait3A_582 = arith.constant 2 : i32
    %dma_wait3A_583 = arith.constant 2 : i32
    %dma_wait3A_584 = arith.constant 0 : i32
    %dma_wait3A_585 = arith.constant 0 : i32
    %dma_wait3A_586 = tpu.memref_slice %arg6[%dma_wait3A_582, %dma_wait3A_584, %dma_wait3A_585] : memref<3x1024x32xf32, #tpu.memory_space<vmem>> -> memref<1x1024x32xf32, #tpu.memory_space<vmem>>
    %dma_wait3A_587 = tpu.memref_squeeze %dma_wait3A_586 : memref<1x1024x32xf32, #tpu.memory_space<vmem>> -> memref<1024x32xf32, #tpu.memory_space<vmem>>
    %dma_wait3A_588 = arith.constant 0 : i32
    %dma_wait3A_589 = tpu.memref_slice %arg4[%add3A_505, %dma_wait3A_588] : memref<425984x32xf32, #tpu.memory_space<hbm>> -> memref<1024x32xf32, #tpu.memory_space<hbm>>
    %dma_wait3A_590 = tpu.memref_slice %arg8[%dma_wait3A_583] : memref<3x!tpu.dma_semaphore, #tpu.memory_space<semaphore_mem>> -> memref<1x!tpu.dma_semaphore, #tpu.memory_space<semaphore_mem>>
    %dma_wait3A_591 = tpu.memref_squeeze %dma_wait3A_590 : memref<1x!tpu.dma_semaphore, #tpu.memory_space<semaphore_mem>> -> memref<!tpu.dma_semaphore, #tpu.memory_space<semaphore_mem>>
    %dma_wait3A_592 = arith.constant 0 : i32
    %dma_wait3A_593 = tpu.memref_slice %arg4[%add3A_505, %dma_wait3A_592] : memref<425984x32xf32, #tpu.memory_space<hbm>> -> memref<1024x32xf32, #tpu.memory_space<hbm>>
    %dma_wait3A_594 = arith.constant 0 : i32
    %dma_wait3A_595 = arith.constant 0 : i32
    %dma_wait3A_596 = tpu.memref_slice %arg6[%dma_wait3A_582, %dma_wait3A_594, %dma_wait3A_595] : memref<3x1024x32xf32, #tpu.memory_space<vmem>> -> memref<1x1024x32xf32, #tpu.memory_space<vmem>>
    %dma_wait3A_597 = tpu.memref_squeeze %dma_wait3A_596 : memref<1x1024x32xf32, #tpu.memory_space<vmem>> -> memref<1024x32xf32, #tpu.memory_space<vmem>>
    tpu.wait_dma2 semaphore(%dma_wait3A_591 : memref<!tpu.dma_semaphore, #tpu.memory_space<semaphore_mem>>) src(%dma_wait3A_597 : memref<1024x32xf32, #tpu.memory_space<vmem>>) dst(%dma_wait3A_593 : memref<1024x32xf32, #tpu.memory_space<hbm>>)
    %dma_start3A_598 = arith.constant 2 : i32
    %dma_start3A_599 = arith.constant 2 : i32
    %dma_start3A_600 = arith.constant 0 : i32
    %dma_start3A_601 = arith.constant 0 : i32
    %dma_start3A_602 = tpu.memref_slice %arg6[%dma_start3A_598, %dma_start3A_600, %dma_start3A_601] : memref<3x1024x32xf32, #tpu.memory_space<vmem>> -> memref<1x1024x32xf32, #tpu.memory_space<vmem>>
    %dma_start3A_603 = tpu.memref_squeeze %dma_start3A_602 : memref<1x1024x32xf32, #tpu.memory_space<vmem>> -> memref<1024x32xf32, #tpu.memory_space<vmem>>
    %dma_start3A_604 = arith.constant 11264 : i32
    %dma_start3A_605 = tpu.memref_slice %arg5[%dma_start3A_604] : memref<13312xi32, #tpu.memory_space<vmem>> -> memref<1024xi32, #tpu.memory_space<vmem>>
    %dma_start3A_606 = arith.constant 0 : i32
    %dma_start3A_607 = arith.constant 0 : i32
    %dma_start3A_608 = tpu.memref_slice %arg3[%dma_start3A_606, %dma_start3A_607] : memref<1015808x32xf32, #tpu.memory_space<hbm>> -> memref<1015808x32xf32, #tpu.memory_space<hbm>>
    %dma_start3A_609 = tpu.memref_slice %arg7[%dma_start3A_599] : memref<3x!tpu.dma_semaphore, #tpu.memory_space<semaphore_mem>> -> memref<1x!tpu.dma_semaphore, #tpu.memory_space<semaphore_mem>>
    %dma_start3A_610 = tpu.memref_squeeze %dma_start3A_609 : memref<1x!tpu.dma_semaphore, #tpu.memory_space<semaphore_mem>> -> memref<!tpu.dma_semaphore, #tpu.memory_space<semaphore_mem>>
    tpu.enqueue_indirect_dma source(%dma_start3A_608 : memref<1015808x32xf32, #tpu.memory_space<hbm>>) target(%dma_start3A_603 : memref<1024x32xf32, #tpu.memory_space<vmem>>) offsets(%dma_start3A_605 : memref<1024xi32, #tpu.memory_space<vmem>>) semaphore(%dma_start3A_610 : memref<!tpu.dma_semaphore, #tpu.memory_space<semaphore_mem>>)
    %dma_wait3A_611 = arith.constant 1 : i32
    %dma_wait3A_612 = arith.constant 1 : i32
    %dma_wait3A_613 = arith.constant 0 : i32
    %dma_wait3A_614 = arith.constant 0 : i32
    %dma_wait3A_615 = tpu.memref_slice %arg6[%dma_wait3A_611, %dma_wait3A_613, %dma_wait3A_614] : memref<3x1024x32xf32, #tpu.memory_space<vmem>> -> memref<1x1024x32xf32, #tpu.memory_space<vmem>>
    %dma_wait3A_616 = tpu.memref_squeeze %dma_wait3A_615 : memref<1x1024x32xf32, #tpu.memory_space<vmem>> -> memref<1024x32xf32, #tpu.memory_space<vmem>>
    %dma_wait3A_617 = arith.constant 10240 : i32
    %dma_wait3A_618 = tpu.memref_slice %arg5[%dma_wait3A_617] : memref<13312xi32, #tpu.memory_space<vmem>> -> memref<1024xi32, #tpu.memory_space<vmem>>
    %dma_wait3A_619 = arith.constant 0 : i32
    %dma_wait3A_620 = arith.constant 0 : i32
    %dma_wait3A_621 = tpu.memref_slice %arg3[%dma_wait3A_619, %dma_wait3A_620] : memref<1015808x32xf32, #tpu.memory_space<hbm>> -> memref<1015808x32xf32, #tpu.memory_space<hbm>>
    %dma_wait3A_622 = tpu.memref_slice %arg7[%dma_wait3A_612] : memref<3x!tpu.dma_semaphore, #tpu.memory_space<semaphore_mem>> -> memref<1x!tpu.dma_semaphore, #tpu.memory_space<semaphore_mem>>
    %dma_wait3A_623 = tpu.memref_squeeze %dma_wait3A_622 : memref<1x!tpu.dma_semaphore, #tpu.memory_space<semaphore_mem>> -> memref<!tpu.dma_semaphore, #tpu.memory_space<semaphore_mem>>
    tpu.wait_indirect_dma semaphore(%dma_wait3A_623 : memref<!tpu.dma_semaphore, #tpu.memory_space<semaphore_mem>>) src(%dma_wait3A_621 : memref<1015808x32xf32, #tpu.memory_space<hbm>>) dst(%dma_wait3A_616 : memref<1024x32xf32, #tpu.memory_space<vmem>>)
    %add3A_624 = arith.constant 10240 : i32
    %add3A_625 = arith.addi %mul3A_2, %add3A_624 : i32
    %dma_start3A_626 = arith.constant 1 : i32
    %dma_start3A_627 = arith.constant 1 : i32
    %dma_start3A_628 = arith.constant 0 : i32
    %dma_start3A_629 = arith.constant 0 : i32
    %dma_start3A_630 = tpu.memref_slice %arg6[%dma_start3A_626, %dma_start3A_628, %dma_start3A_629] : memref<3x1024x32xf32, #tpu.memory_space<vmem>> -> memref<1x1024x32xf32, #tpu.memory_space<vmem>>
    %dma_start3A_631 = tpu.memref_squeeze %dma_start3A_630 : memref<1x1024x32xf32, #tpu.memory_space<vmem>> -> memref<1024x32xf32, #tpu.memory_space<vmem>>
    %dma_start3A_632 = arith.constant 0 : i32
    %dma_start3A_633 = tpu.memref_slice %arg4[%add3A_625, %dma_start3A_632] : memref<425984x32xf32, #tpu.memory_space<hbm>> -> memref<1024x32xf32, #tpu.memory_space<hbm>>
    %dma_start3A_634 = tpu.memref_slice %arg8[%dma_start3A_627] : memref<3x!tpu.dma_semaphore, #tpu.memory_space<semaphore_mem>> -> memref<1x!tpu.dma_semaphore, #tpu.memory_space<semaphore_mem>>
    %dma_start3A_635 = tpu.memref_squeeze %dma_start3A_634 : memref<1x!tpu.dma_semaphore, #tpu.memory_space<semaphore_mem>> -> memref<!tpu.dma_semaphore, #tpu.memory_space<semaphore_mem>>
    %dma_start3A_636 = arith.constant 0 : i32
    %dma_start3A_637 = tpu.memref_slice %arg4[%add3A_625, %dma_start3A_636] : memref<425984x32xf32, #tpu.memory_space<hbm>> -> memref<1024x32xf32, #tpu.memory_space<hbm>>
    %dma_start3A_638 = arith.constant 0 : i32
    %dma_start3A_639 = arith.constant 0 : i32
    %dma_start3A_640 = tpu.memref_slice %arg6[%dma_start3A_626, %dma_start3A_638, %dma_start3A_639] : memref<3x1024x32xf32, #tpu.memory_space<vmem>> -> memref<1x1024x32xf32, #tpu.memory_space<vmem>>
    %dma_start3A_641 = tpu.memref_squeeze %dma_start3A_640 : memref<1x1024x32xf32, #tpu.memory_space<vmem>> -> memref<1024x32xf32, #tpu.memory_space<vmem>>
    tpu.enqueue_dma source(%dma_start3A_641 : memref<1024x32xf32, #tpu.memory_space<vmem>>) target(%dma_start3A_637 : memref<1024x32xf32, #tpu.memory_space<hbm>>) target_semaphore(%dma_start3A_635 : memref<!tpu.dma_semaphore, #tpu.memory_space<semaphore_mem>>)
    %dma_wait3A_642 = arith.constant 0 : i32
    %dma_wait3A_643 = arith.constant 0 : i32
    %dma_wait3A_644 = arith.constant 0 : i32
    %dma_wait3A_645 = arith.constant 0 : i32
    %dma_wait3A_646 = tpu.memref_slice %arg6[%dma_wait3A_642, %dma_wait3A_644, %dma_wait3A_645] : memref<3x1024x32xf32, #tpu.memory_space<vmem>> -> memref<1x1024x32xf32, #tpu.memory_space<vmem>>
    %dma_wait3A_647 = tpu.memref_squeeze %dma_wait3A_646 : memref<1x1024x32xf32, #tpu.memory_space<vmem>> -> memref<1024x32xf32, #tpu.memory_space<vmem>>
    %dma_wait3A_648 = arith.constant 0 : i32
    %dma_wait3A_649 = tpu.memref_slice %arg4[%add3A_565, %dma_wait3A_648] : memref<425984x32xf32, #tpu.memory_space<hbm>> -> memref<1024x32xf32, #tpu.memory_space<hbm>>
    %dma_wait3A_650 = tpu.memref_slice %arg8[%dma_wait3A_643] : memref<3x!tpu.dma_semaphore, #tpu.memory_space<semaphore_mem>> -> memref<1x!tpu.dma_semaphore, #tpu.memory_space<semaphore_mem>>
    %dma_wait3A_651 = tpu.memref_squeeze %dma_wait3A_650 : memref<1x!tpu.dma_semaphore, #tpu.memory_space<semaphore_mem>> -> memref<!tpu.dma_semaphore, #tpu.memory_space<semaphore_mem>>
    %dma_wait3A_652 = arith.constant 0 : i32
    %dma_wait3A_653 = tpu.memref_slice %arg4[%add3A_565, %dma_wait3A_652] : memref<425984x32xf32, #tpu.memory_space<hbm>> -> memref<1024x32xf32, #tpu.memory_space<hbm>>
    %dma_wait3A_654 = arith.constant 0 : i32
    %dma_wait3A_655 = arith.constant 0 : i32
    %dma_wait3A_656 = tpu.memref_slice %arg6[%dma_wait3A_642, %dma_wait3A_654, %dma_wait3A_655] : memref<3x1024x32xf32, #tpu.memory_space<vmem>> -> memref<1x1024x32xf32, #tpu.memory_space<vmem>>
    %dma_wait3A_657 = tpu.memref_squeeze %dma_wait3A_656 : memref<1x1024x32xf32, #tpu.memory_space<vmem>> -> memref<1024x32xf32, #tpu.memory_space<vmem>>
    tpu.wait_dma2 semaphore(%dma_wait3A_651 : memref<!tpu.dma_semaphore, #tpu.memory_space<semaphore_mem>>) src(%dma_wait3A_657 : memref<1024x32xf32, #tpu.memory_space<vmem>>) dst(%dma_wait3A_653 : memref<1024x32xf32, #tpu.memory_space<hbm>>)
    %dma_start3A_658 = arith.constant 0 : i32
    %dma_start3A_659 = arith.constant 0 : i32
    %dma_start3A_660 = arith.constant 0 : i32
    %dma_start3A_661 = arith.constant 0 : i32
    %dma_start3A_662 = tpu.memref_slice %arg6[%dma_start3A_658, %dma_start3A_660, %dma_start3A_661] : memref<3x1024x32xf32, #tpu.memory_space<vmem>> -> memref<1x1024x32xf32, #tpu.memory_space<vmem>>
    %dma_start3A_663 = tpu.memref_squeeze %dma_start3A_662 : memref<1x1024x32xf32, #tpu.memory_space<vmem>> -> memref<1024x32xf32, #tpu.memory_space<vmem>>
    %dma_start3A_664 = arith.constant 12288 : i32
    %dma_start3A_665 = tpu.memref_slice %arg5[%dma_start3A_664] : memref<13312xi32, #tpu.memory_space<vmem>> -> memref<1024xi32, #tpu.memory_space<vmem>>
    %dma_start3A_666 = arith.constant 0 : i32
    %dma_start3A_667 = arith.constant 0 : i32
    %dma_start3A_668 = tpu.memref_slice %arg3[%dma_start3A_666, %dma_start3A_667] : memref<1015808x32xf32, #tpu.memory_space<hbm>> -> memref<1015808x32xf32, #tpu.memory_space<hbm>>
    %dma_start3A_669 = tpu.memref_slice %arg7[%dma_start3A_659] : memref<3x!tpu.dma_semaphore, #tpu.memory_space<semaphore_mem>> -> memref<1x!tpu.dma_semaphore, #tpu.memory_space<semaphore_mem>>
    %dma_start3A_670 = tpu.memref_squeeze %dma_start3A_669 : memref<1x!tpu.dma_semaphore, #tpu.memory_space<semaphore_mem>> -> memref<!tpu.dma_semaphore, #tpu.memory_space<semaphore_mem>>
    tpu.enqueue_indirect_dma source(%dma_start3A_668 : memref<1015808x32xf32, #tpu.memory_space<hbm>>) target(%dma_start3A_663 : memref<1024x32xf32, #tpu.memory_space<vmem>>) offsets(%dma_start3A_665 : memref<1024xi32, #tpu.memory_space<vmem>>) semaphore(%dma_start3A_670 : memref<!tpu.dma_semaphore, #tpu.memory_space<semaphore_mem>>)
    %dma_wait3A_671 = arith.constant 2 : i32
    %dma_wait3A_672 = arith.constant 2 : i32
    %dma_wait3A_673 = arith.constant 0 : i32
    %dma_wait3A_674 = arith.constant 0 : i32
    %dma_wait3A_675 = tpu.memref_slice %arg6[%dma_wait3A_671, %dma_wait3A_673, %dma_wait3A_674] : memref<3x1024x32xf32, #tpu.memory_space<vmem>> -> memref<1x1024x32xf32, #tpu.memory_space<vmem>>
    %dma_wait3A_676 = tpu.memref_squeeze %dma_wait3A_675 : memref<1x1024x32xf32, #tpu.memory_space<vmem>> -> memref<1024x32xf32, #tpu.memory_space<vmem>>
    %dma_wait3A_677 = arith.constant 11264 : i32
    %dma_wait3A_678 = tpu.memref_slice %arg5[%dma_wait3A_677] : memref<13312xi32, #tpu.memory_space<vmem>> -> memref<1024xi32, #tpu.memory_space<vmem>>
    %dma_wait3A_679 = arith.constant 0 : i32
    %dma_wait3A_680 = arith.constant 0 : i32
    %dma_wait3A_681 = tpu.memref_slice %arg3[%dma_wait3A_679, %dma_wait3A_680] : memref<1015808x32xf32, #tpu.memory_space<hbm>> -> memref<1015808x32xf32, #tpu.memory_space<hbm>>
    %dma_wait3A_682 = tpu.memref_slice %arg7[%dma_wait3A_672] : memref<3x!tpu.dma_semaphore, #tpu.memory_space<semaphore_mem>> -> memref<1x!tpu.dma_semaphore, #tpu.memory_space<semaphore_mem>>
    %dma_wait3A_683 = tpu.memref_squeeze %dma_wait3A_682 : memref<1x!tpu.dma_semaphore, #tpu.memory_space<semaphore_mem>> -> memref<!tpu.dma_semaphore, #tpu.memory_space<semaphore_mem>>
    tpu.wait_indirect_dma semaphore(%dma_wait3A_683 : memref<!tpu.dma_semaphore, #tpu.memory_space<semaphore_mem>>) src(%dma_wait3A_681 : memref<1015808x32xf32, #tpu.memory_space<hbm>>) dst(%dma_wait3A_676 : memref<1024x32xf32, #tpu.memory_space<vmem>>)
    %add3A_684 = arith.constant 11264 : i32
    %add3A_685 = arith.addi %mul3A_2, %add3A_684 : i32
    %dma_start3A_686 = arith.constant 2 : i32
    %dma_start3A_687 = arith.constant 2 : i32
    %dma_start3A_688 = arith.constant 0 : i32
    %dma_start3A_689 = arith.constant 0 : i32
    %dma_start3A_690 = tpu.memref_slice %arg6[%dma_start3A_686, %dma_start3A_688, %dma_start3A_689] : memref<3x1024x32xf32, #tpu.memory_space<vmem>> -> memref<1x1024x32xf32, #tpu.memory_space<vmem>>
    %dma_start3A_691 = tpu.memref_squeeze %dma_start3A_690 : memref<1x1024x32xf32, #tpu.memory_space<vmem>> -> memref<1024x32xf32, #tpu.memory_space<vmem>>
    %dma_start3A_692 = arith.constant 0 : i32
    %dma_start3A_693 = tpu.memref_slice %arg4[%add3A_685, %dma_start3A_692] : memref<425984x32xf32, #tpu.memory_space<hbm>> -> memref<1024x32xf32, #tpu.memory_space<hbm>>
    %dma_start3A_694 = tpu.memref_slice %arg8[%dma_start3A_687] : memref<3x!tpu.dma_semaphore, #tpu.memory_space<semaphore_mem>> -> memref<1x!tpu.dma_semaphore, #tpu.memory_space<semaphore_mem>>
    %dma_start3A_695 = tpu.memref_squeeze %dma_start3A_694 : memref<1x!tpu.dma_semaphore, #tpu.memory_space<semaphore_mem>> -> memref<!tpu.dma_semaphore, #tpu.memory_space<semaphore_mem>>
    %dma_start3A_696 = arith.constant 0 : i32
    %dma_start3A_697 = tpu.memref_slice %arg4[%add3A_685, %dma_start3A_696] : memref<425984x32xf32, #tpu.memory_space<hbm>> -> memref<1024x32xf32, #tpu.memory_space<hbm>>
    %dma_start3A_698 = arith.constant 0 : i32
    %dma_start3A_699 = arith.constant 0 : i32
    %dma_start3A_700 = tpu.memref_slice %arg6[%dma_start3A_686, %dma_start3A_698, %dma_start3A_699] : memref<3x1024x32xf32, #tpu.memory_space<vmem>> -> memref<1x1024x32xf32, #tpu.memory_space<vmem>>
    %dma_start3A_701 = tpu.memref_squeeze %dma_start3A_700 : memref<1x1024x32xf32, #tpu.memory_space<vmem>> -> memref<1024x32xf32, #tpu.memory_space<vmem>>
    tpu.enqueue_dma source(%dma_start3A_701 : memref<1024x32xf32, #tpu.memory_space<vmem>>) target(%dma_start3A_697 : memref<1024x32xf32, #tpu.memory_space<hbm>>) target_semaphore(%dma_start3A_695 : memref<!tpu.dma_semaphore, #tpu.memory_space<semaphore_mem>>)
    %dma_wait3A_702 = arith.constant 0 : i32
    %dma_wait3A_703 = arith.constant 0 : i32
    %dma_wait3A_704 = arith.constant 0 : i32
    %dma_wait3A_705 = arith.constant 0 : i32
    %dma_wait3A_706 = tpu.memref_slice %arg6[%dma_wait3A_702, %dma_wait3A_704, %dma_wait3A_705] : memref<3x1024x32xf32, #tpu.memory_space<vmem>> -> memref<1x1024x32xf32, #tpu.memory_space<vmem>>
    %dma_wait3A_707 = tpu.memref_squeeze %dma_wait3A_706 : memref<1x1024x32xf32, #tpu.memory_space<vmem>> -> memref<1024x32xf32, #tpu.memory_space<vmem>>
    %dma_wait3A_708 = arith.constant 12288 : i32
    %dma_wait3A_709 = tpu.memref_slice %arg5[%dma_wait3A_708] : memref<13312xi32, #tpu.memory_space<vmem>> -> memref<1024xi32, #tpu.memory_space<vmem>>
    %dma_wait3A_710 = arith.constant 0 : i32
    %dma_wait3A_711 = arith.constant 0 : i32
    %dma_wait3A_712 = tpu.memref_slice %arg3[%dma_wait3A_710, %dma_wait3A_711] : memref<1015808x32xf32, #tpu.memory_space<hbm>> -> memref<1015808x32xf32, #tpu.memory_space<hbm>>
    %dma_wait3A_713 = tpu.memref_slice %arg7[%dma_wait3A_703] : memref<3x!tpu.dma_semaphore, #tpu.memory_space<semaphore_mem>> -> memref<1x!tpu.dma_semaphore, #tpu.memory_space<semaphore_mem>>
    %dma_wait3A_714 = tpu.memref_squeeze %dma_wait3A_713 : memref<1x!tpu.dma_semaphore, #tpu.memory_space<semaphore_mem>> -> memref<!tpu.dma_semaphore, #tpu.memory_space<semaphore_mem>>
    tpu.wait_indirect_dma semaphore(%dma_wait3A_714 : memref<!tpu.dma_semaphore, #tpu.memory_space<semaphore_mem>>) src(%dma_wait3A_712 : memref<1015808x32xf32, #tpu.memory_space<hbm>>) dst(%dma_wait3A_707 : memref<1024x32xf32, #tpu.memory_space<vmem>>)
    %add3A_715 = arith.constant 12288 : i32
    %add3A_716 = arith.addi %mul3A_2, %add3A_715 : i32
    %dma_start3A_717 = arith.constant 0 : i32
    %dma_start3A_718 = arith.constant 0 : i32
    %dma_start3A_719 = arith.constant 0 : i32
    %dma_start3A_720 = arith.constant 0 : i32
    %dma_start3A_721 = tpu.memref_slice %arg6[%dma_start3A_717, %dma_start3A_719, %dma_start3A_720] : memref<3x1024x32xf32, #tpu.memory_space<vmem>> -> memref<1x1024x32xf32, #tpu.memory_space<vmem>>
    %dma_start3A_722 = tpu.memref_squeeze %dma_start3A_721 : memref<1x1024x32xf32, #tpu.memory_space<vmem>> -> memref<1024x32xf32, #tpu.memory_space<vmem>>
    %dma_start3A_723 = arith.constant 0 : i32
    %dma_start3A_724 = tpu.memref_slice %arg4[%add3A_716, %dma_start3A_723] : memref<425984x32xf32, #tpu.memory_space<hbm>> -> memref<1024x32xf32, #tpu.memory_space<hbm>>
    %dma_start3A_725 = tpu.memref_slice %arg8[%dma_start3A_718] : memref<3x!tpu.dma_semaphore, #tpu.memory_space<semaphore_mem>> -> memref<1x!tpu.dma_semaphore, #tpu.memory_space<semaphore_mem>>
    %dma_start3A_726 = tpu.memref_squeeze %dma_start3A_725 : memref<1x!tpu.dma_semaphore, #tpu.memory_space<semaphore_mem>> -> memref<!tpu.dma_semaphore, #tpu.memory_space<semaphore_mem>>
    %dma_start3A_727 = arith.constant 0 : i32
    %dma_start3A_728 = tpu.memref_slice %arg4[%add3A_716, %dma_start3A_727] : memref<425984x32xf32, #tpu.memory_space<hbm>> -> memref<1024x32xf32, #tpu.memory_space<hbm>>
    %dma_start3A_729 = arith.constant 0 : i32
    %dma_start3A_730 = arith.constant 0 : i32
    %dma_start3A_731 = tpu.memref_slice %arg6[%dma_start3A_717, %dma_start3A_729, %dma_start3A_730] : memref<3x1024x32xf32, #tpu.memory_space<vmem>> -> memref<1x1024x32xf32, #tpu.memory_space<vmem>>
    %dma_start3A_732 = tpu.memref_squeeze %dma_start3A_731 : memref<1x1024x32xf32, #tpu.memory_space<vmem>> -> memref<1024x32xf32, #tpu.memory_space<vmem>>
    tpu.enqueue_dma source(%dma_start3A_732 : memref<1024x32xf32, #tpu.memory_space<vmem>>) target(%dma_start3A_728 : memref<1024x32xf32, #tpu.memory_space<hbm>>) target_semaphore(%dma_start3A_726 : memref<!tpu.dma_semaphore, #tpu.memory_space<semaphore_mem>>)
    %dma_wait3A_733 = arith.constant 1 : i32
    %dma_wait3A_734 = arith.constant 1 : i32
    %dma_wait3A_735 = arith.constant 0 : i32
    %dma_wait3A_736 = arith.constant 0 : i32
    %dma_wait3A_737 = tpu.memref_slice %arg6[%dma_wait3A_733, %dma_wait3A_735, %dma_wait3A_736] : memref<3x1024x32xf32, #tpu.memory_space<vmem>> -> memref<1x1024x32xf32, #tpu.memory_space<vmem>>
    %dma_wait3A_738 = tpu.memref_squeeze %dma_wait3A_737 : memref<1x1024x32xf32, #tpu.memory_space<vmem>> -> memref<1024x32xf32, #tpu.memory_space<vmem>>
    %dma_wait3A_739 = arith.constant 0 : i32
    %dma_wait3A_740 = tpu.memref_slice %arg4[%add3A_625, %dma_wait3A_739] : memref<425984x32xf32, #tpu.memory_space<hbm>> -> memref<1024x32xf32, #tpu.memory_space<hbm>>
    %dma_wait3A_741 = tpu.memref_slice %arg8[%dma_wait3A_734] : memref<3x!tpu.dma_semaphore, #tpu.memory_space<semaphore_mem>> -> memref<1x!tpu.dma_semaphore, #tpu.memory_space<semaphore_mem>>
    %dma_wait3A_742 = tpu.memref_squeeze %dma_wait3A_741 : memref<1x!tpu.dma_semaphore, #tpu.memory_space<semaphore_mem>> -> memref<!tpu.dma_semaphore, #tpu.memory_space<semaphore_mem>>
    %dma_wait3A_743 = arith.constant 0 : i32
    %dma_wait3A_744 = tpu.memref_slice %arg4[%add3A_625, %dma_wait3A_743] : memref<425984x32xf32, #tpu.memory_space<hbm>> -> memref<1024x32xf32, #tpu.memory_space<hbm>>
    %dma_wait3A_745 = arith.constant 0 : i32
    %dma_wait3A_746 = arith.constant 0 : i32
    %dma_wait3A_747 = tpu.memref_slice %arg6[%dma_wait3A_733, %dma_wait3A_745, %dma_wait3A_746] : memref<3x1024x32xf32, #tpu.memory_space<vmem>> -> memref<1x1024x32xf32, #tpu.memory_space<vmem>>
    %dma_wait3A_748 = tpu.memref_squeeze %dma_wait3A_747 : memref<1x1024x32xf32, #tpu.memory_space<vmem>> -> memref<1024x32xf32, #tpu.memory_space<vmem>>
    tpu.wait_dma2 semaphore(%dma_wait3A_742 : memref<!tpu.dma_semaphore, #tpu.memory_space<semaphore_mem>>) src(%dma_wait3A_748 : memref<1024x32xf32, #tpu.memory_space<vmem>>) dst(%dma_wait3A_744 : memref<1024x32xf32, #tpu.memory_space<hbm>>)
    %dma_wait3A_749 = arith.constant 2 : i32
    %dma_wait3A_750 = arith.constant 2 : i32
    %dma_wait3A_751 = arith.constant 0 : i32
    %dma_wait3A_752 = arith.constant 0 : i32
    %dma_wait3A_753 = tpu.memref_slice %arg6[%dma_wait3A_749, %dma_wait3A_751, %dma_wait3A_752] : memref<3x1024x32xf32, #tpu.memory_space<vmem>> -> memref<1x1024x32xf32, #tpu.memory_space<vmem>>
    %dma_wait3A_754 = tpu.memref_squeeze %dma_wait3A_753 : memref<1x1024x32xf32, #tpu.memory_space<vmem>> -> memref<1024x32xf32, #tpu.memory_space<vmem>>
    %dma_wait3A_755 = arith.constant 0 : i32
    %dma_wait3A_756 = tpu.memref_slice %arg4[%add3A_685, %dma_wait3A_755] : memref<425984x32xf32, #tpu.memory_space<hbm>> -> memref<1024x32xf32, #tpu.memory_space<hbm>>
    %dma_wait3A_757 = tpu.memref_slice %arg8[%dma_wait3A_750] : memref<3x!tpu.dma_semaphore, #tpu.memory_space<semaphore_mem>> -> memref<1x!tpu.dma_semaphore, #tpu.memory_space<semaphore_mem>>
    %dma_wait3A_758 = tpu.memref_squeeze %dma_wait3A_757 : memref<1x!tpu.dma_semaphore, #tpu.memory_space<semaphore_mem>> -> memref<!tpu.dma_semaphore, #tpu.memory_space<semaphore_mem>>
    %dma_wait3A_759 = arith.constant 0 : i32
    %dma_wait3A_760 = tpu.memref_slice %arg4[%add3A_685, %dma_wait3A_759] : memref<425984x32xf32, #tpu.memory_space<hbm>> -> memref<1024x32xf32, #tpu.memory_space<hbm>>
    %dma_wait3A_761 = arith.constant 0 : i32
    %dma_wait3A_762 = arith.constant 0 : i32
    %dma_wait3A_763 = tpu.memref_slice %arg6[%dma_wait3A_749, %dma_wait3A_761, %dma_wait3A_762] : memref<3x1024x32xf32, #tpu.memory_space<vmem>> -> memref<1x1024x32xf32, #tpu.memory_space<vmem>>
    %dma_wait3A_764 = tpu.memref_squeeze %dma_wait3A_763 : memref<1x1024x32xf32, #tpu.memory_space<vmem>> -> memref<1024x32xf32, #tpu.memory_space<vmem>>
    tpu.wait_dma2 semaphore(%dma_wait3A_758 : memref<!tpu.dma_semaphore, #tpu.memory_space<semaphore_mem>>) src(%dma_wait3A_764 : memref<1024x32xf32, #tpu.memory_space<vmem>>) dst(%dma_wait3A_760 : memref<1024x32xf32, #tpu.memory_space<hbm>>)
    %dma_wait3A_765 = arith.constant 0 : i32
    %dma_wait3A_766 = arith.constant 0 : i32
    %dma_wait3A_767 = arith.constant 0 : i32
    %dma_wait3A_768 = arith.constant 0 : i32
    %dma_wait3A_769 = tpu.memref_slice %arg6[%dma_wait3A_765, %dma_wait3A_767, %dma_wait3A_768] : memref<3x1024x32xf32, #tpu.memory_space<vmem>> -> memref<1x1024x32xf32, #tpu.memory_space<vmem>>
    %dma_wait3A_770 = tpu.memref_squeeze %dma_wait3A_769 : memref<1x1024x32xf32, #tpu.memory_space<vmem>> -> memref<1024x32xf32, #tpu.memory_space<vmem>>
    %dma_wait3A_771 = arith.constant 0 : i32
    %dma_wait3A_772 = tpu.memref_slice %arg4[%add3A_716, %dma_wait3A_771] : memref<425984x32xf32, #tpu.memory_space<hbm>> -> memref<1024x32xf32, #tpu.memory_space<hbm>>
    %dma_wait3A_773 = tpu.memref_slice %arg8[%dma_wait3A_766] : memref<3x!tpu.dma_semaphore, #tpu.memory_space<semaphore_mem>> -> memref<1x!tpu.dma_semaphore, #tpu.memory_space<semaphore_mem>>
    %dma_wait3A_774 = tpu.memref_squeeze %dma_wait3A_773 : memref<1x!tpu.dma_semaphore, #tpu.memory_space<semaphore_mem>> -> memref<!tpu.dma_semaphore, #tpu.memory_space<semaphore_mem>>
    %dma_wait3A_775 = arith.constant 0 : i32
    %dma_wait3A_776 = tpu.memref_slice %arg4[%add3A_716, %dma_wait3A_775] : memref<425984x32xf32, #tpu.memory_space<hbm>> -> memref<1024x32xf32, #tpu.memory_space<hbm>>
    %dma_wait3A_777 = arith.constant 0 : i32
    %dma_wait3A_778 = arith.constant 0 : i32
    %dma_wait3A_779 = tpu.memref_slice %arg6[%dma_wait3A_765, %dma_wait3A_777, %dma_wait3A_778] : memref<3x1024x32xf32, #tpu.memory_space<vmem>> -> memref<1x1024x32xf32, #tpu.memory_space<vmem>>
    %dma_wait3A_780 = tpu.memref_squeeze %dma_wait3A_779 : memref<1x1024x32xf32, #tpu.memory_space<vmem>> -> memref<1024x32xf32, #tpu.memory_space<vmem>>
    tpu.wait_dma2 semaphore(%dma_wait3A_774 : memref<!tpu.dma_semaphore, #tpu.memory_space<semaphore_mem>>) src(%dma_wait3A_780 : memref<1024x32xf32, #tpu.memory_space<vmem>>) dst(%dma_wait3A_776 : memref<1024x32xf32, #tpu.memory_space<hbm>>)
    return
  }
}

module attributes {stable_mosaic.version = 14 : i64} {
  func.func @_transpose_body(%arg0: i32, %arg1: memref<32x8192xf32, #tpu.memory_space<vmem>>, %arg2: memref<32x8192xf32, #tpu.memory_space<vmem>>, %arg3: memref<32x8192xf32, #tpu.memory_space<vmem>>, %arg4: memref<32x8192xf32, #tpu.memory_space<vmem>>, %arg5: memref<8192x128xf32, #tpu.memory_space<vmem>>) attributes {dimension_semantics = [#tpu.dimension_semantics<arbitrary>], iteration_bounds = array<i64: 31>, scalar_prefetch = 0 : i64, scratch_operands = 0 : i64, tpu.core_type = #tpu.core_type<tc>, window_params = [{transform_indices = @transform_0, window_bounds = array<i64: 32, 8192>}, {transform_indices = @transform_1, window_bounds = array<i64: 32, 8192>}, {transform_indices = @transform_2, window_bounds = array<i64: 32, 8192>}, {transform_indices = @transform_3, window_bounds = array<i64: 32, 8192>}, {transform_indices = @transform_4, window_bounds = array<i64: 8192, 128>}]} {
    %get3A = arith.constant 0 : index
    %get3A_0 = arith.constant 0 : index
    %get3A_1 = vector.load %arg1[%get3A, %get3A_0] : memref<32x8192xf32, #tpu.memory_space<vmem>>, vector<32x8192xf32>
    %transpose3A = tpu.transpose %get3A_1, [1, 0] : vector<32x8192xf32> -> vector<8192x32xf32>
    %get3A_2 = arith.constant 0 : index
    %get3A_3 = arith.constant 0 : index
    %get3A_4 = vector.load %arg2[%get3A_2, %get3A_3] : memref<32x8192xf32, #tpu.memory_space<vmem>>, vector<32x8192xf32>
    %transpose3A_5 = tpu.transpose %get3A_4, [1, 0] : vector<32x8192xf32> -> vector<8192x32xf32>
    %get3A_6 = arith.constant 0 : index
    %get3A_7 = arith.constant 0 : index
    %get3A_8 = vector.load %arg3[%get3A_6, %get3A_7] : memref<32x8192xf32, #tpu.memory_space<vmem>>, vector<32x8192xf32>
    %transpose3A_9 = tpu.transpose %get3A_8, [1, 0] : vector<32x8192xf32> -> vector<8192x32xf32>
    %get3A_10 = arith.constant 0 : index
    %get3A_11 = arith.constant 0 : index
    %get3A_12 = vector.load %arg4[%get3A_10, %get3A_11] : memref<32x8192xf32, #tpu.memory_space<vmem>>, vector<32x8192xf32>
    %transpose3A_13 = tpu.transpose %get3A_12, [1, 0] : vector<32x8192xf32> -> vector<8192x32xf32>
    %concatenate3A = tpu.concatenate %transpose3A, %transpose3A_5, %transpose3A_9, %transpose3A_13 in 1 : vector<8192x32xf32>, vector<8192x32xf32>, vector<8192x32xf32>, vector<8192x32xf32> -> vector<8192x128xf32>
    %swap3A = arith.constant 0 : index
    %swap3A_14 = arith.constant 0 : index
    %swap3A_15 = vector.load %arg5[%swap3A, %swap3A_14] : memref<8192x128xf32, #tpu.memory_space<vmem>>, vector<8192x128xf32>
    tpu.vector_store %arg5[%swap3A, %swap3A_14], %concatenate3A {strides = array<i32>} : memref<8192x128xf32, #tpu.memory_space<vmem>>, vector<8192x128xf32>,
    return
  }
  func.func @transform_0(%arg0: i32) -> (i32, i32) {
    %add3A = arith.constant 0 : i32
    %add3A_0 = arith.addi %arg0, %add3A : i32
    %min3A = arith.constant 122 : i32
    %min3A_1 = arith.minsi %add3A_0, %min3A : i32
    %c0_i32 = arith.constant 0 : i32
    %c0_i32_2 = arith.constant 0 : i32
    return %c0_i32, %min3A_1 : i32, i32
  }
  func.func @transform_1(%arg0: i32) -> (i32, i32) {
    %add3A = arith.constant 31 : i32
    %add3A_0 = arith.addi %arg0, %add3A : i32
    %min3A = arith.constant 122 : i32
    %min3A_1 = arith.minsi %add3A_0, %min3A : i32
    %c0_i32 = arith.constant 0 : i32
    %c0_i32_2 = arith.constant 0 : i32
    return %c0_i32, %min3A_1 : i32, i32
  }
  func.func @transform_2(%arg0: i32) -> (i32, i32) {
    %add3A = arith.constant 62 : i32
    %add3A_0 = arith.addi %arg0, %add3A : i32
    %min3A = arith.constant 122 : i32
    %min3A_1 = arith.minsi %add3A_0, %min3A : i32
    %c0_i32 = arith.constant 0 : i32
    %c0_i32_2 = arith.constant 0 : i32
    return %c0_i32, %min3A_1 : i32, i32
  }
  func.func @transform_3(%arg0: i32) -> (i32, i32) {
    %add3A = arith.constant 93 : i32
    %add3A_0 = arith.addi %arg0, %add3A : i32
    %min3A = arith.constant 122 : i32
    %min3A_1 = arith.minsi %add3A_0, %min3A : i32
    %c0_i32 = arith.constant 0 : i32
    %c0_i32_2 = arith.constant 0 : i32
    return %c0_i32, %min3A_1 : i32, i32
  }
  func.func @transform_4(%arg0: i32) -> (i32, i32) {
    %c0_i32 = arith.constant 0 : i32
    %c0_i32_0 = arith.constant 0 : i32
    return %arg0, %c0_i32 : i32, i32
  }
}

</mosaic_0001>

<sc_bundles>
// kernel: kernel.4.cloned.1.call-start
scs
__scs_entry_jumppad:
0x0: {  	(pc) =	sbr.rel $0x88, $3  }
0x1: {  	(tag) =	ssettag $0x0;
	lr =	simm.s32 $0x1  }
0x2: {  	[smem:$0x3F9F] =	sst lr;
	_ =	strace $0xD0000000  }
0x3: {  	_ = 	snop  }
0x4: {  	_ = 	snop  }
0x5: {  	_ = 	snop  }
0x6: {  	_ = 	snop  }
0x7: {  	_ = 	snop  }
__scs_overlays_trampoline_lowered:
0x8: {  	[smem:$0x3FAE] =	sst s0  }
0x9: {  	[smem:$0x3FAF] =	sst s1  }
0xa: {  	[smem:$0x3FB0] =	sst s2  }
0xb: {  	[smem:$0x3FB1] =	sst s3  }
0xc: {  	[smem:$0x3FB2] =	sst s4  }
0xd: {  	[smem:$0x3FB3] =	sst s5  }
0xe: {  	[smem:$0x3FB4] =	sst s6  }
0xf: {  	[smem:$0x3FB5] =	sst s7  }
0x10: {  	[smem:$0x3FB6] =	sst s8  }
0x11: {  	[smem:$0x3FB7] =	sst s9;
	s0 =	simm.s32 @!p0 $0x0  }
0x12: {  	s1 =	sld [smem:$0x3F9D];
	s0 =	simm.s32 @p0 $0x1  }
0x13: {  	[smem:$0x3FB8] =	sst s0;
	s0 =	simm.s32 @!p1 $0x0  }
0x14: {  	s2 =	sld [smem:$0x3F9C];
	s0 =	simm.s32 @p1 $0x1  }
0x15: {  	[smem:$0x3FB9] =	sst s0;
	s0 =	simm.s32 @!p2 $0x0  }
0x16: {  	s3 =	sld [smem:$0x3FDB];
	s0 =	simm.s32 @p2 $0x1  }
0x17: {  	s4 =	simm.s32 $0x1BF5;
	[smem:$0x3FBB] =	sst s0  }
0x18: {  	s0 =	sld [smem:$0x3F9E];
	_ =	swait.ge [sflag:s4], $0x0  }
0x19: {  	s7 =	sld [smem:$0x3F9F]  }
0x1a: {  	s8 =	sadd.s32 $0xFFFFE003, lr  }
0x1b: {  	s9 =	sadd.s32 $0xFFFFFEF7, lr;
	s5 =	simm.s32 $0xFFFFFFFF;
	p2 =	slt.u32 s8, $0xFFFFF086  }
0x1c: {  	p1 =	slt.u32 s9, $0xF7A;
	s5 =	simm.s32 @!p2 $0x0  }
0x1d: {  	s5 =	simm.s32 @p1 $0x1;
	p0 =	seq.s32 s7, s2  }
0x1e: {  	s7 =	smul.u32 @!p0 $0xF7A, s2;
	p2 =	seq.s32 @!p0 s5, $0x0  }
0x1f: {  	s9 =	smul.u32 $0xF7A, s1;
	s8 =	simm.s32 @!p0 $0x1BF5;
	p2 =	por !p2, p0  }
0x20: {  	[sflag:s8] =	ssyncset.s32 @!p0 $0xFFFFF086;
	s6 =	sadd.s32 @!p0 s3, s7;
	s7 =	simm.s32 @!p0 $0x108  }
0x21: {  	s3 =	sadd.s32 s3, s9;
	s6 =	sadd.s32 @!p0 $0x88, s6;
	s7 =	simm.s32 @p2 $0x1082  }
0x22: {  	[simem:s7], [sflag:s8] =	dma.local @!p0 [hbm:s6], $0xF7A  }
0x23: {  	s9 =	sor.u32 $0xD0000000, s2;
	s6 =	simm.s32 $0x108;
	_ =	swait.ge @!p0 [sflag:s8], $0x0  }
0x24: {  	s3 =	sadd.s32 $0x88, s3;
	s6 =	simm.s32 @!p1 $0x1082;
	[sflag:s4] =	ssyncset.s32 $0xFFFFF086  }
0x25: {  	[simem:s6], [sflag:s4] =	dma.local [hbm:s3], $0xF7A  }
0x26: {  	[smem:$0x3F9F] =	sst s1;
	(tag) =	ssettag s2;
	_ =	strace s9  }
0x27: {  	s1 =	sld [smem:$0x3FAF]  }
0x28: {  	s2 =	sld [smem:$0x3FB0]  }
0x29: {  	s4 =	sld [smem:$0x3FB2]  }
0x2a: {  	p0 =	seq.s32 s5, $0x0;
	s5 =	sld [smem:$0x3FB3]  }
0x2b: {  	s6 =	sld [smem:$0x3FB4]  }
0x2c: {  	s7 =	sld [smem:$0x3FB5]  }
0x2d: {  	s3 =	simm.s32 $0x108;
	s8 =	sld [smem:$0x3FB6]  }
0x2e: {  	s3 =	simm.s32 @!p0 $0x1082;
	s9 =	sld [smem:$0x3FB7]  }
0x2f: {  	lr =	sadd.s32 s0, s3;
	s0 =	sld [smem:$0x3FAE]  }
0x30: {  	s3 =	sld [smem:$0x3FB1]  }
0x31: {  	[smem:$0x3FBA] =	sst s10  }
0x32: {  	s10 =	sld [smem:$0x3FB8];
	_ =	sdelay $0x3  }
0x33: {  	p0 =	seq.s32 s10, $0x1;
	s10 =	sld [smem:$0x3FBA];
	_ =	sdelay $0x3  }
0x34: {  	[smem:$0x3FBA] =	sst s10  }
0x35: {  	s10 =	sld [smem:$0x3FB9];
	_ =	sdelay $0x3  }
0x36: {  	p1 =	seq.s32 s10, $0x1;
	s10 =	sld [smem:$0x3FBA];
	_ =	sdelay $0x3  }
0x37: {  	[smem:$0x3FBA] =	sst s10  }
0x38: {  	s10 =	sld [smem:$0x3FBB]  }
0x39: {  	_ = 	snop;
	(pc) =	sbr.ind lr, $3  }
0x3a: {  	_ = 	snop  }
0x3b: {  	_ = 	snop  }
0x3c: {  	p2 =	seq.s32 s10, $0x1;
	s10 =	sld [smem:$0x3FBA]  }
0x3d: {  	_ =	shalt  }
0x3e: {  	_ =	shalt  }
0x3f: {  	_ =	shalt  }
0x40: {  	_ =	shalt  }
0x41: {  	_ =	shalt  }
0x42: {  	_ =	shalt  }
0x43: {  	_ =	shalt  }
0x44: {  	_ =	shalt  }
0x45: {  	_ =	shalt  }
0x46: {  	_ =	shalt  }
0x47: {  	_ =	shalt  }
0x48: {  	_ =	shalt  }
0x49: {  	_ =	shalt  }
0x4a: {  	_ =	shalt  }
0x4b: {  	_ =	shalt  }
0x4c: {  	_ =	shalt  }
0x4d: {  	_ =	shalt  }
0x4e: {  	_ =	shalt  }
0x4f: {  	_ =	shalt  }
0x50: {  	_ =	shalt  }
0x51: {  	_ =	shalt  }
0x52: {  	_ =	shalt  }
0x53: {  	_ =	shalt  }
0x54: {  	_ =	shalt  }
0x55: {  	_ =	shalt  }
0x56: {  	_ =	shalt  }
0x57: {  	_ =	shalt  }
0x58: {  	_ =	shalt  }
0x59: {  	_ =	shalt  }
0x5a: {  	_ =	shalt  }
0x5b: {  	_ =	shalt  }
0x5c: {  	_ =	shalt  }
0x5d: {  	_ =	shalt  }
0x5e: {  	_ =	shalt  }
0x5f: {  	_ =	shalt  }
0x60: {  	_ =	shalt  }
0x61: {  	_ =	shalt  }
0x62: {  	_ =	shalt  }
0x63: {  	_ =	shalt  }
0x64: {  	_ =	shalt  }
0x65: {  	_ =	shalt  }
0x66: {  	_ =	shalt  }
0x67: {  	_ =	shalt  }
0x68: {  	_ =	shalt  }
0x69: {  	_ =	shalt  }
0x6a: {  	_ =	shalt  }
0x6b: {  	_ =	shalt  }
0x6c: {  	_ =	shalt  }
0x6d: {  	_ =	shalt  }
0x6e: {  	_ =	shalt  }
0x6f: {  	_ =	shalt  }
0x70: {  	_ =	shalt  }
0x71: {  	_ =	shalt  }
0x72: {  	_ =	shalt  }
0x73: {  	_ =	shalt  }
0x74: {  	_ =	shalt  }
0x75: {  	_ =	shalt  }
0x76: {  	_ =	shalt  }
0x77: {  	_ =	shalt  }
0x78: {  	_ =	shalt  }
0x79: {  	_ =	shalt  }
0x7a: {  	_ =	shalt  }
0x7b: {  	_ =	shalt  }
0x7c: {  	_ =	shalt  }
0x7d: {  	_ =	shalt  }
0x7e: {  	_ =	shalt  }
0x7f: {  	_ =	shalt  }
0x80: {  	_ =	shalt  }
0x81: {  	_ =	shalt  }
0x82: {  	_ =	shalt  }
0x83: {  	_ =	shalt  }
0x84: {  	_ =	shalt  }
0x85: {  	_ =	shalt  }
0x86: {  	_ =	shalt  }
0x87: {  	_ =	shalt  }
.Lfunc_end0:
.L_simem_size_0:
called_computation.1_lowered:
.L_overlay_start_0:
0x88: {  	s2 =	sld [smem:$0x3FD9]  }
0x89: {  	s3 =	sld [smem:$0x3FFE];
	_ =	sdelay $0x1  }
0x8a: {  	s1 =	srdreg.scid  }
0x8b: {  	s0 =	sand.u32 $0x1, s1  }
0x8c: {  	s17 =	sshll.u32 s0, $0xA;
	s2 =	sadd.s32 s3, s2  }
0x8d: {  	s2 =	sadd.s32 s2, s17  }
0x8e: {  	[smem:$0x3FC6] =	sst s2  }
0x8f: {  	_ = 	snop  }
0x90: {  	s2 =	sld [smem:$0x3FD0];
	(tm) =	ssettm $0x1  }
0x91: {  	s18 =	sld [smem:$0x3FFB];
	_ =	sdelay $0x3  }
0x92: {  	_ =	strace s18  }
0x93: {  	s3 =	sld [smem:$0x3FFC];
	_ =	sdelay $0x3  }
0x94: {  	_ =	strace s3  }
0x95: {  	s3 =	sld [smem:$0x3FFD];
	_ =	sdelay $0x3  }
0x96: {  	_ =	strace s3  }
0x97: {  	_ =	strace $0x8FFFFFFF  }
0x98: {  	s19 =	sld [smem:$0x3FDB];
	_ =	sdelay $0x1  }
0x99: {  	s4 =	simm.s32 $_scs_section_size  }
0x9a: {  	s5 =	simm.s32 $_size__tile_overlayer_lowered;
	s6 =	simm.s32 $_tile_overlayer_lowered  }
0x9b: {  	s22 =	simm.s32 $0x1BFF;
	s21 =	sshll.u32 s6, $0x1;
	s3 =	sadd.s32 s4, s19  }
0x9c: {  	s7 =	simm.s32 $0x0;
	s20 =	sshll.u32 s5, $0x1;
	s5 =	sadd.s32 s21, s3  }
0x9d: {  	[timem:s7], [sflag:s22] =	dma.local [hbm:s5], s20  }
0x9e: {  	_ =	swait.ge [sflag:s22], s20  }
0x9f: {  	s4 =	ssub.s32 $0x0, s20;
	[sflag:s22] =	ssyncset.done $0x0  }
0xa0: {  	[sflag:s22] =	ssyncadd.s32 s4;
	_ =	sdelay $0x1  }
0xa1: {  	s23 =	simm.s32 $0x1B8B  }
0xa2: {  	_ =	swait.ge [sflag:s23], $0x1  }
0xa3: {  	[sflag:s23] =	ssyncset.done $0x0  }
0xa4: {  	s25 =	simm.s32 $0x1B8E;
	s24 =	sld [smem:$0x3FFE];
	[sflag:s23] =	ssyncadd.s32 $0xFFFFFFFF  }
0xa5: {  	s26 =	simm.s32 $execute0_lowered;
	[smem:$0x3FD2] =	sst s25  }
0xa6: {  	s5 =	sshll.u32 s26, $0x1;
	_ =	strace $0x80000046;
	[dreg:$0x1] =	wrdreg $0xFFFFFFFF  }
0xa7: {  	s28 =	simm.s32 $_size_execute0_lowered;
	s3 =	sadd.s32 s3, s5;
	[dreg:$0x0] =	wrdreg $0x0  }
0xa8: {  	s5 =	sshll.u32 s28, $0x1;
	[dreg:$0x2] =	wrdreg s3  }
0xa9: {  	[dreg:$0x3] =	wrdreg s5  }
0xaa: {  	[dreg:$0x4] =	wrdreg $0xC0  }
0xab: {  	_ =	task [dreg:s7], $0x5FFFF  }
0xac: {  	[dreg:$0x1] =	wrdreg $0xFFFFFFFF  }
0xad: {  	[dreg:$0x0] =	wrdreg $0x60  }
0xae: {  	[dreg:$0x2] =	wrdreg s24  }
0xaf: {  	[dreg:$0x3] =	wrdreg s2  }
0xb0: {  	[dreg:$0x4] =	wrdreg $0x9  }
0xb1: {  	_ =	task.clear_ibuf [dreg:s7], $0x5FFFF;
	_ =	strace $0x90000046  }
0xb2: {  	s29 =	simm.s32 $0x9;
	_ =	strace $0x80000048  }
0xb3: {  	_ =	swait.ge [sflag:s29], $0x1  }
0xb4: {  	[sflag:s29] =	ssyncadd.s32 $0xFFFFFFFF  }
0xb5: {  	_ =	strace $0x90000048  }
0xb6: {  	_ =	sfence  }
0xb7: {  	s30 =	sld [smem:$0x0];
	_ =	sdelay $0x2  }
0xb8: {  	s31 =	sshll.u32 s1, $0xD;
	s1 =	sshrl.u32 s1, $0x2  }
0xb9: {  	s3 =	sand.u32 $0x4000, s31;
	s1 =	sadd.s32 s1, s30  }
0xba: {  	s0 =	sor.u32 s3, s0;
	s1 =	sshll.u32 s1, $0x11  }
0xbb: {  	s0 =	sor.u32 s1, s0  }
0xbc: {  	s0 =	sadd.s32 $0x8F2B, s0  }
0xbd: {  	[sflag:s0] =	ssyncadd.remote.s32 $0x1  }
0xbe: {  	_ =	sfence.sel $0xFFFF  }
0xbf: {  	[dreg:$0x0] =	wrdreg $0xFFFFFFFF;
	(pc) =	sbr.abs _section_cstart, $3  }
0xc0: {  	[dreg:$0x1] =	wrdreg $0xFFFFFFFF  }
0xc1: {  	_ =	task.clear_ibuf [dreg:s7], $0x2FFFF;
	_ =	strace $0x9FFFFFFF  }
0xc2: {  	(tm) =	ssettm $0x7FFFFFFF  }
0xc3: {  	_ =	shalt  }
tec
execute0_lowered:
.L_overlay_start_1:
0x0: {  	(tag) =	ssettag $0x1  }
0x1: {  	s1 =	srdreg.scid;
	s0 =	stileid.u32  }
0x2: {  	s1 =	sand.u32 $0x1, s1;
	s2 =	sshll.u32 s0, $0x1  }
0x3: {  	s3 =	sor.u32 s1, s2  }
0x4: {  	s6 =	smul.u32 $0x680, s3  }
0x5: {  	s4 =	rddreg [dreg:$0x0];
	s2 =	simm.s32 $0x0;
	s7 =	smul.u32 $0x68000, s3  }
0x6: {  	[smem:$0x7FF] =	sst s2;
	s3 =	smul.u32 $0xD000, s3  }
0x7: {  	s5 =	rddreg [dreg:$0x1];
	_ =	strace $0x80000047  }
0x8: {  	s6 =	sadd.s32 s6, s4;
	s7 =	sshrl.u32 s7, $0x3;
	s3 =	sadd.s32 s5, s3  }
0x9: {  	s6 =	sadd.s32 $0x800, s6;
	s31 =	sadd.s32 s5, s7;
	[dreg:$0x4] =	wrdreg s3  }
0xa: {  	[dreg:$0x3] =	wrdreg s6;
	s19 =	sadd.s32 $0x1000, s31  }
0xb: {  	s20 =	sadd.s32 $0x2000, s31;
	[dreg:$0x5] =	wrdreg s19  }
0xc: {  	s21 =	sadd.s32 $0x3000, s31;
	[dreg:$0x6] =	wrdreg s20  }
0xd: {  	s22 =	sadd.s32 $0x4000, s31;
	[dreg:$0x7] =	wrdreg s21  }
0xe: {  	s23 =	sadd.s32 $0x5000, s31;
	[dreg:$0x8] =	wrdreg s22  }
0xf: {  	[dreg:$0x9] =	wrdreg s23  }
0x10: {  	s24 =	sadd.s32 $0x6000, s31;
	s25 =	rddreg [dreg:$0x3]  }
0x11: {  	s26 =	sadd.s32 $0x7000, s31;
	[dreg:$0xa] =	wrdreg s24  }
0x12: {  	s3 =	simm.s32 $0x7;
	[dreg:$0xb] =	wrdreg s26  }
0x13: {  	[tilespmem:s2], [sflag:$0x7] =	stream.linear.gather [hbm4b:s25+s2], $0x3400, $0x38;
	[tilespmem:$0x1B400] =	vst v63  }
0x14: {  	_ =	swait.ge [sflag:s3], $0x3400  }
0x15: {  	s4 =	sadd.s32 $0xD800, s4;
	[sflag:s3] =	ssyncset.done $0x0  }
0x16: {  	s5 =	simm.s32 $0x400;
	s6 =	simm.s32 $0x3400;
	[sflag:s3] =	ssyncadd.s32 $0xFFFFCC00  }
0x17: {  	[tilespmem:s6], [sflag:$0x1] =	stream.indirect.gather [hbm4b:s4+s5], $0x20, s2, s5, $0xb8;
	[tilespmem:$0x1B400] =	vst v63  }
0x18: {  	s8 =	simm.s32 $0x1;
	s7 =	simm.s32 $0xB400  }
0x19: {  	[tilespmem:s7], [sflag:$0x2] =	stream.indirect.gather [hbm4b:s4+s5], $0x20, s5, s5, $0xb8;
	[tilespmem:$0x1B400] =	vst v63  }
0x1a: {  	_ =	swait.ge [sflag:s8], $0x8000  }
0x1b: {  	[sflag:s8] =	ssyncset.done $0x0  }
0x1c: {  	s9 =	rddreg [dreg:$0x4];
	[sflag:s8] =	ssyncadd.s32 $0xFFFF8000  }
0x1d: {  	[hbm4b:s9+s2] =	stream.linear.scatter [tilespmem:s6], [sflag:$0x4], $0x8000, $0x38;
	[tilespmem:$0x1B400] =	vst v63  }
0x1e: {  	s10 =	simm.s32 $0x13400;
	s11 =	simm.s32 $0x2;
	s9 =	simm.s32 $0x800  }
0x1f: {  	[tilespmem:s10], [sflag:$0x3] =	stream.indirect.gather [hbm4b:s4+s5], $0x20, s9, s5, $0xb8;
	[tilespmem:$0x1B400] =	vst v63  }
0x20: {  	_ =	swait.ge [sflag:s11], $0x8000  }
0x21: {  	[sflag:s11] =	ssyncset.done $0x0  }
0x22: {  	s12 =	simm.s32 $0x4;
	s13 =	rddreg [dreg:$0x5];
	[sflag:s11] =	ssyncadd.s32 $0xFFFF8000  }
0x23: {  	[hbm4b:s13+s2] =	stream.linear.scatter [tilespmem:s7], [sflag:$0x5], $0x8000, $0x38;
	[tilespmem:$0x1B400] =	vst v63  }
0x24: {  	_ =	swait.ge [sflag:s12], $0x8000  }
0x25: {  	[sflag:s12] =	ssyncset.done $0x0  }
0x26: {  	s14 =	simm.s32 $0x3;
	s13 =	simm.s32 $0xC00;
	[sflag:s12] =	ssyncadd.s32 $0xFFFF8000  }
0x27: {  	[tilespmem:s6], [sflag:$0x1] =	stream.indirect.gather [hbm4b:s4+s5], $0x20, s13, s5, $0xb8;
	[tilespmem:$0x1B400] =	vst v63  }
0x28: {  	_ =	swait.ge [sflag:s14], $0x8000  }
0x29: {  	[sflag:s14] =	ssyncset.done $0x0  }
0x2a: {  	s15 =	simm.s32 $0x5;
	s16 =	rddreg [dreg:$0x6];
	[sflag:s14] =	ssyncadd.s32 $0xFFFF8000  }
0x2b: {  	[hbm4b:s16+s2] =	stream.linear.scatter [tilespmem:s10], [sflag:$0x6], $0x8000, $0x38;
	[tilespmem:$0x1B400] =	vst v63  }
0x2c: {  	_ =	swait.ge [sflag:s15], $0x8000  }
0x2d: {  	[sflag:s15] =	ssyncset.done $0x0  }
0x2e: {  	s16 =	simm.s32 $0x1000;
	[sflag:s15] =	ssyncadd.s32 $0xFFFF8000  }
0x2f: {  	[tilespmem:s7], [sflag:$0x2] =	stream.indirect.gather [hbm4b:s4+s5], $0x20, s16, s5, $0xb8;
	[tilespmem:$0x1B400] =	vst v63  }
0x30: {  	_ =	swait.ge [sflag:s8], $0x8000  }
0x31: {  	[sflag:s8] =	ssyncset.done $0x0  }
0x32: {  	s17 =	simm.s32 $0x6;
	s18 =	rddreg [dreg:$0x7];
	[sflag:s8] =	ssyncadd.s32 $0xFFFF8000  }
0x33: {  	[hbm4b:s18+s2] =	stream.linear.scatter [tilespmem:s6], [sflag:$0x4], $0x8000, $0x38;
	[tilespmem:$0x1B400] =	vst v63  }
0x34: {  	_ =	swait.ge [sflag:s17], $0x8000  }
0x35: {  	[sflag:s17] =	ssyncset.done $0x0  }
0x36: {  	s18 =	simm.s32 $0x1400;
	[sflag:s17] =	ssyncadd.s32 $0xFFFF8000  }
0x37: {  	[tilespmem:s10], [sflag:$0x3] =	stream.indirect.gather [hbm4b:s4+s5], $0x20, s18, s5, $0xb8;
	[tilespmem:$0x1B400] =	vst v63  }
0x38: {  	_ =	swait.ge [sflag:s11], $0x8000  }
0x39: {  	[sflag:s11] =	ssyncset.done $0x0  }
0x3a: {  	s19 =	rddreg [dreg:$0x8];
	[sflag:s11] =	ssyncadd.s32 $0xFFFF8000  }
0x3b: {  	[hbm4b:s19+s2] =	stream.linear.scatter [tilespmem:s7], [sflag:$0x5], $0x8000, $0x38;
	[tilespmem:$0x1B400] =	vst v63  }
0x3c: {  	_ =	swait.ge [sflag:s12], $0x8000  }
0x3d: {  	[sflag:s12] =	ssyncset.done $0x0  }
0x3e: {  	s19 =	simm.s32 $0x1800;
	[sflag:s12] =	ssyncadd.s32 $0xFFFF8000  }
0x3f: {  	[tilespmem:s6], [sflag:$0x1] =	stream.indirect.gather [hbm4b:s4+s5], $0x20, s19, s5, $0xb8;
	[tilespmem:$0x1B400] =	vst v63  }
0x40: {  	_ =	swait.ge [sflag:s14], $0x8000  }
0x41: {  	[sflag:s14] =	ssyncset.done $0x0  }
0x42: {  	s20 =	rddreg [dreg:$0x9];
	[sflag:s14] =	ssyncadd.s32 $0xFFFF8000  }
0x43: {  	[hbm4b:s20+s2] =	stream.linear.scatter [tilespmem:s10], [sflag:$0x6], $0x8000, $0x38;
	[tilespmem:$0x1B400] =	vst v63  }
0x44: {  	_ =	swait.ge [sflag:s15], $0x8000  }
0x45: {  	[sflag:s15] =	ssyncset.done $0x0  }
0x46: {  	s20 =	simm.s32 $0x1C00;
	[sflag:s15] =	ssyncadd.s32 $0xFFFF8000  }
0x47: {  	[tilespmem:s7], [sflag:$0x2] =	stream.indirect.gather [hbm4b:s4+s5], $0x20, s20, s5, $0xb8;
	[tilespmem:$0x1B400] =	vst v63  }
0x48: {  	_ =	swait.ge [sflag:s8], $0x8000  }
0x49: {  	[sflag:s8] =	ssyncset.done $0x0  }
0x4a: {  	s21 =	rddreg [dreg:$0xa];
	[sflag:s8] =	ssyncadd.s32 $0xFFFF8000  }
0x4b: {  	[hbm4b:s21+s2] =	stream.linear.scatter [tilespmem:s6], [sflag:$0x4], $0x8000, $0x38;
	[tilespmem:$0x1B400] =	vst v63  }
0x4c: {  	_ =	swait.ge [sflag:s17], $0x8000  }
0x4d: {  	[sflag:s17] =	ssyncset.done $0x0  }
0x4e: {  	s21 =	simm.s32 $0x2000;
	[sflag:s17] =	ssyncadd.s32 $0xFFFF8000  }
0x4f: {  	[tilespmem:s10], [sflag:$0x3] =	stream.indirect.gather [hbm4b:s4+s5], $0x20, s21, s5, $0xb8;
	[tilespmem:$0x1B400] =	vst v63  }
0x50: {  	_ =	swait.ge [sflag:s11], $0x8000  }
0x51: {  	[sflag:s11] =	ssyncset.done $0x0  }
0x52: {  	s22 =	rddreg [dreg:$0xb];
	[sflag:s11] =	ssyncadd.s32 $0xFFFF8000  }
0x53: {  	[hbm4b:s22+s2] =	stream.linear.scatter [tilespmem:s7], [sflag:$0x5], $0x8000, $0x38;
	[tilespmem:$0x1B400] =	vst v63  }
0x54: {  	_ =	swait.ge [sflag:s12], $0x8000  }
0x55: {  	[sflag:s12] =	ssyncset.done $0x0  }
0x56: {  	s22 =	simm.s32 $0x2400;
	[sflag:s12] =	ssyncadd.s32 $0xFFFF8000  }
0x57: {  	[tilespmem:s6], [sflag:$0x1] =	stream.indirect.gather [hbm4b:s4+s5], $0x20, s22, s5, $0xb8;
	[tilespmem:$0x1B400] =	vst v63  }
0x58: {  	_ =	swait.ge [sflag:s14], $0x8000  }
0x59: {  	[sflag:s14] =	ssyncset.done $0x0  }
0x5a: {  	s23 =	sadd.s32 $0x8000, s31;
	[sflag:s14] =	ssyncadd.s32 $0xFFFF8000  }
0x5b: {  	[hbm4b:s23+s2] =	stream.linear.scatter [tilespmem:s10], [sflag:$0x6], $0x8000, $0x38;
	[tilespmem:$0x1B400] =	vst v63  }
0x5c: {  	_ =	swait.ge [sflag:s15], $0x8000  }
0x5d: {  	[sflag:s15] =	ssyncset.done $0x0  }
0x5e: {  	s24 =	simm.s32 $0x2800;
	[sflag:s15] =	ssyncadd.s32 $0xFFFF8000  }
0x5f: {  	[tilespmem:s7], [sflag:$0x2] =	stream.indirect.gather [hbm4b:s4+s5], $0x20, s24, s5, $0xb8;
	[tilespmem:$0x1B400] =	vst v63  }
0x60: {  	_ =	swait.ge [sflag:s8], $0x8000  }
0x61: {  	[sflag:s8] =	ssyncset.done $0x0  }
0x62: {  	s25 =	sadd.s32 $0x9000, s31;
	[sflag:s8] =	ssyncadd.s32 $0xFFFF8000  }
0x63: {  	[hbm4b:s25+s2] =	stream.linear.scatter [tilespmem:s6], [sflag:$0x4], $0x8000, $0x38;
	[tilespmem:$0x1B400] =	vst v63  }
0x64: {  	_ =	swait.ge [sflag:s17], $0x8000  }
0x65: {  	[sflag:s17] =	ssyncset.done $0x0  }
0x66: {  	s26 =	simm.s32 $0x2C00;
	[sflag:s17] =	ssyncadd.s32 $0xFFFF8000  }
0x67: {  	[tilespmem:s10], [sflag:$0x3] =	stream.indirect.gather [hbm4b:s4+s5], $0x20, s26, s5, $0xb8;
	[tilespmem:$0x1B400] =	vst v63  }
0x68: {  	_ =	swait.ge [sflag:s11], $0x8000  }
0x69: {  	[sflag:s11] =	ssyncset.done $0x0  }
0x6a: {  	s28 =	sadd.s32 $0xA000, s31;
	[sflag:s11] =	ssyncadd.s32 $0xFFFF8000  }
0x6b: {  	[hbm4b:s28+s2] =	stream.linear.scatter [tilespmem:s7], [sflag:$0x5], $0x8000, $0x38;
	[tilespmem:$0x1B400] =	vst v63  }
0x6c: {  	_ =	swait.ge [sflag:s12], $0x8000  }
0x6d: {  	[sflag:s12] =	ssyncset.done $0x0  }
0x6e: {  	s29 =	simm.s32 $0x3000;
	[sflag:s12] =	ssyncadd.s32 $0xFFFF8000  }
0x6f: {  	[tilespmem:s6], [sflag:$0x1] =	stream.indirect.gather [hbm4b:s4+s5], $0x20, s29, s5, $0xb8;
	[tilespmem:$0x1B400] =	vst v63  }
0x70: {  	_ =	swait.ge [sflag:s14], $0x8000  }
0x71: {  	[sflag:s14] =	ssyncset.done $0x0  }
0x72: {  	s30 =	sadd.s32 $0xB000, s31;
	[sflag:s14] =	ssyncadd.s32 $0xFFFF8000  }
0x73: {  	[hbm4b:s30+s2] =	stream.linear.scatter [tilespmem:s10], [sflag:$0x6], $0x8000, $0x38;
	[tilespmem:$0x1B400] =	vst v63  }
0x74: {  	s1 =	ssub.s32 $0x2, s1;
	_ =	swait.ge [sflag:s8], $0x8000  }
0x75: {  	s0 =	sshrl.u32 s1, $0x1;
	[sflag:s8] =	ssyncset.done $0x0  }
0x76: {  	s0 =	ssub.s32 s1, s0;
	s31 =	sadd.s32 $0xC000, s31;
	[sflag:s8] =	ssyncadd.s32 $0xFFFF8000  }
0x77: {  	[hbm4b:s31+s2] =	stream.linear.scatter [tilespmem:s6], [sflag:$0x4], $0x8000, $0x38;
	[tilespmem:$0x1B400] =	vst v63  }
0x78: {  	s0 =	smax.u32 s0, $0x1;
	_ =	swait.ge [sflag:s15], $0x8000  }
0x79: {  	p0 =	sne.s32 s0, $0x1;
	[sflag:s15] =	ssyncset.done $0x0  }
.Ltmp0:
0x7a: {  	[sflag:s15] =	ssyncadd.s32 $0xFFFF8000;
	(pc) =	sbr.rel @!p0 .LBB2_2-.Ltmp0, $4  }
0x7b: {  	_ =	swait.ge [sflag:s17], $0x8000  }
0x7c: {  	[sflag:s17] =	ssyncset.done $0x0  }
0x7d: {  	[sflag:s17] =	ssyncadd.s32 $0xFFFF8000  }
0x7e: {  	s1 =	sadd.s32 $0xFFFFFFFF, s0;
	_ =	swait.ge [sflag:s12], $0x8000  }
.LBB2_1:
0x7f: {  	[sflag:s12] =	ssyncset.done $0x0  }
0x80: {  	s0 =	rddreg [dreg:$0x3];
	[sflag:s12] =	ssyncadd.s32 $0xFFFF8000  }
0x81: {  	[tilespmem:s2], [sflag:$0x7] =	stream.linear.gather [hbm4b:s0+s2], $0x3400, $0x38;
	[tilespmem:$0x1B400] =	vst v63  }
0x82: {  	_ =	swait.ge [sflag:s3], $0x3400  }
0x83: {  	[sflag:s3] =	ssyncset.done $0x0  }
0x84: {  	[sflag:s3] =	ssyncadd.s32 $0xFFFFCC00  }
0x85: {  	[tilespmem:s6], [sflag:$0x1] =	stream.indirect.gather [hbm4b:s4+s5], $0x20, s2, s5, $0xb8;
	[tilespmem:$0x1B400] =	vst v63  }
0x86: {  	_ = 	snop  }
0x87: {  	[tilespmem:s7], [sflag:$0x2] =	stream.indirect.gather [hbm4b:s4+s5], $0x20, s5, s5, $0xb8;
	[tilespmem:$0x1B400] =	vst v63  }
0x88: {  	_ =	swait.ge [sflag:s8], $0x8000  }
0x89: {  	[sflag:s8] =	ssyncset.done $0x0  }
0x8a: {  	s0 =	rddreg [dreg:$0x4];
	[sflag:s8] =	ssyncadd.s32 $0xFFFF8000  }
0x8b: {  	[hbm4b:s0+s2] =	stream.linear.scatter [tilespmem:s6], [sflag:$0x4], $0x8000, $0x38;
	[tilespmem:$0x1B400] =	vst v63  }
0x8c: {  	_ = 	snop  }
0x8d: {  	[tilespmem:s10], [sflag:$0x3] =	stream.indirect.gather [hbm4b:s4+s5], $0x20, s9, s5, $0xb8;
	[tilespmem:$0x1B400] =	vst v63  }
0x8e: {  	_ =	swait.ge [sflag:s11], $0x8000  }
0x8f: {  	[sflag:s11] =	ssyncset.done $0x0  }
0x90: {  	s0 =	rddreg [dreg:$0x5];
	[sflag:s11] =	ssyncadd.s32 $0xFFFF8000  }
0x91: {  	[hbm4b:s0+s2] =	stream.linear.scatter [tilespmem:s7], [sflag:$0x5], $0x8000, $0x38;
	[tilespmem:$0x1B400] =	vst v63  }
0x92: {  	_ =	swait.ge [sflag:s12], $0x8000  }
0x93: {  	[sflag:s12] =	ssyncset.done $0x0  }
0x94: {  	[sflag:s12] =	ssyncadd.s32 $0xFFFF8000  }
0x95: {  	[tilespmem:s6], [sflag:$0x1] =	stream.indirect.gather [hbm4b:s4+s5], $0x20, s13, s5, $0xb8;
	[tilespmem:$0x1B400] =	vst v63  }
0x96: {  	_ =	swait.ge [sflag:s14], $0x8000  }
0x97: {  	[sflag:s14] =	ssyncset.done $0x0  }
0x98: {  	s0 =	rddreg [dreg:$0x6];
	[sflag:s14] =	ssyncadd.s32 $0xFFFF8000  }
0x99: {  	[hbm4b:s0+s2] =	stream.linear.scatter [tilespmem:s10], [sflag:$0x6], $0x8000, $0x38;
	[tilespmem:$0x1B400] =	vst v63  }
0x9a: {  	_ =	swait.ge [sflag:s15], $0x8000  }
0x9b: {  	[sflag:s15] =	ssyncset.done $0x0  }
0x9c: {  	[sflag:s15] =	ssyncadd.s32 $0xFFFF8000  }
0x9d: {  	[tilespmem:s7], [sflag:$0x2] =	stream.indirect.gather [hbm4b:s4+s5], $0x20, s16, s5, $0xb8;
	[tilespmem:$0x1B400] =	vst v63  }
0x9e: {  	_ =	swait.ge [sflag:s8], $0x8000  }
0x9f: {  	[sflag:s8] =	ssyncset.done $0x0  }
0xa0: {  	s0 =	rddreg [dreg:$0x7];
	[sflag:s8] =	ssyncadd.s32 $0xFFFF8000  }
0xa1: {  	[hbm4b:s0+s2] =	stream.linear.scatter [tilespmem:s6], [sflag:$0x4], $0x8000, $0x38;
	[tilespmem:$0x1B400] =	vst v63  }
0xa2: {  	_ =	swait.ge [sflag:s17], $0x8000  }
0xa3: {  	[sflag:s17] =	ssyncset.done $0x0  }
0xa4: {  	[sflag:s17] =	ssyncadd.s32 $0xFFFF8000  }
0xa5: {  	[tilespmem:s10], [sflag:$0x3] =	stream.indirect.gather [hbm4b:s4+s5], $0x20, s18, s5, $0xb8;
	[tilespmem:$0x1B400] =	vst v63  }
0xa6: {  	_ =	swait.ge [sflag:s11], $0x8000  }
0xa7: {  	[sflag:s11] =	ssyncset.done $0x0  }
0xa8: {  	s0 =	rddreg [dreg:$0x8];
	[sflag:s11] =	ssyncadd.s32 $0xFFFF8000  }
0xa9: {  	[hbm4b:s0+s2] =	stream.linear.scatter [tilespmem:s7], [sflag:$0x5], $0x8000, $0x38;
	[tilespmem:$0x1B400] =	vst v63  }
0xaa: {  	_ =	swait.ge [sflag:s12], $0x8000  }
0xab: {  	[sflag:s12] =	ssyncset.done $0x0  }
0xac: {  	[sflag:s12] =	ssyncadd.s32 $0xFFFF8000  }
0xad: {  	[tilespmem:s6], [sflag:$0x1] =	stream.indirect.gather [hbm4b:s4+s5], $0x20, s19, s5, $0xb8;
	[tilespmem:$0x1B400] =	vst v63  }
0xae: {  	_ =	swait.ge [sflag:s14], $0x8000  }
0xaf: {  	[sflag:s14] =	ssyncset.done $0x0  }
0xb0: {  	s0 =	rddreg [dreg:$0x9];
	[sflag:s14] =	ssyncadd.s32 $0xFFFF8000  }
0xb1: {  	[hbm4b:s0+s2] =	stream.linear.scatter [tilespmem:s10], [sflag:$0x6], $0x8000, $0x38;
	[tilespmem:$0x1B400] =	vst v63  }
0xb2: {  	_ =	swait.ge [sflag:s15], $0x8000  }
0xb3: {  	[sflag:s15] =	ssyncset.done $0x0  }
0xb4: {  	[sflag:s15] =	ssyncadd.s32 $0xFFFF8000  }
0xb5: {  	[tilespmem:s7], [sflag:$0x2] =	stream.indirect.gather [hbm4b:s4+s5], $0x20, s20, s5, $0xb8;
	[tilespmem:$0x1B400] =	vst v63  }
0xb6: {  	_ =	swait.ge [sflag:s8], $0x8000  }
0xb7: {  	[sflag:s8] =	ssyncset.done $0x0  }
0xb8: {  	s0 =	rddreg [dreg:$0xa];
	[sflag:s8] =	ssyncadd.s32 $0xFFFF8000  }
0xb9: {  	[hbm4b:s0+s2] =	stream.linear.scatter [tilespmem:s6], [sflag:$0x4], $0x8000, $0x38;
	[tilespmem:$0x1B400] =	vst v63  }
0xba: {  	_ =	swait.ge [sflag:s17], $0x8000  }
0xbb: {  	[sflag:s17] =	ssyncset.done $0x0  }
0xbc: {  	[sflag:s17] =	ssyncadd.s32 $0xFFFF8000  }
0xbd: {  	[tilespmem:s10], [sflag:$0x3] =	stream.indirect.gather [hbm4b:s4+s5], $0x20, s21, s5, $0xb8;
	[tilespmem:$0x1B400] =	vst v63  }
0xbe: {  	_ =	swait.ge [sflag:s11], $0x8000  }
0xbf: {  	[sflag:s11] =	ssyncset.done $0x0  }
0xc0: {  	s0 =	rddreg [dreg:$0xb];
	[sflag:s11] =	ssyncadd.s32 $0xFFFF8000  }
0xc1: {  	[hbm4b:s0+s2] =	stream.linear.scatter [tilespmem:s7], [sflag:$0x5], $0x8000, $0x38;
	[tilespmem:$0x1B400] =	vst v63  }
0xc2: {  	_ =	swait.ge [sflag:s12], $0x8000  }
0xc3: {  	[sflag:s12] =	ssyncset.done $0x0  }
0xc4: {  	[sflag:s12] =	ssyncadd.s32 $0xFFFF8000  }
0xc5: {  	[tilespmem:s6], [sflag:$0x1] =	stream.indirect.gather [hbm4b:s4+s5], $0x20, s22, s5, $0xb8;
	[tilespmem:$0x1B400] =	vst v63  }
0xc6: {  	_ =	swait.ge [sflag:s14], $0x8000  }
0xc7: {  	[sflag:s14] =	ssyncset.done $0x0  }
0xc8: {  	[sflag:s14] =	ssyncadd.s32 $0xFFFF8000  }
0xc9: {  	[hbm4b:s23+s2] =	stream.linear.scatter [tilespmem:s10], [sflag:$0x6], $0x8000, $0x38;
	[tilespmem:$0x1B400] =	vst v63  }
0xca: {  	_ =	swait.ge [sflag:s15], $0x8000  }
0xcb: {  	[sflag:s15] =	ssyncset.done $0x0  }
0xcc: {  	[sflag:s15] =	ssyncadd.s32 $0xFFFF8000  }
0xcd: {  	[tilespmem:s7], [sflag:$0x2] =	stream.indirect.gather [hbm4b:s4+s5], $0x20, s24, s5, $0xb8;
	[tilespmem:$0x1B400] =	vst v63  }
0xce: {  	_ =	swait.ge [sflag:s8], $0x8000  }
0xcf: {  	[sflag:s8] =	ssyncset.done $0x0  }
0xd0: {  	[sflag:s8] =	ssyncadd.s32 $0xFFFF8000  }
0xd1: {  	[hbm4b:s25+s2] =	stream.linear.scatter [tilespmem:s6], [sflag:$0x4], $0x8000, $0x38;
	[tilespmem:$0x1B400] =	vst v63  }
0xd2: {  	_ =	swait.ge [sflag:s17], $0x8000  }
0xd3: {  	[sflag:s17] =	ssyncset.done $0x0  }
0xd4: {  	[sflag:s17] =	ssyncadd.s32 $0xFFFF8000  }
0xd5: {  	[tilespmem:s10], [sflag:$0x3] =	stream.indirect.gather [hbm4b:s4+s5], $0x20, s26, s5, $0xb8;
	[tilespmem:$0x1B400] =	vst v63  }
0xd6: {  	_ =	swait.ge [sflag:s11], $0x8000  }
0xd7: {  	[sflag:s11] =	ssyncset.done $0x0  }
0xd8: {  	[sflag:s11] =	ssyncadd.s32 $0xFFFF8000  }
0xd9: {  	[hbm4b:s28+s2] =	stream.linear.scatter [tilespmem:s7], [sflag:$0x5], $0x8000, $0x38;
	[tilespmem:$0x1B400] =	vst v63  }
0xda: {  	_ =	swait.ge [sflag:s12], $0x8000  }
0xdb: {  	[sflag:s12] =	ssyncset.done $0x0  }
0xdc: {  	[sflag:s12] =	ssyncadd.s32 $0xFFFF8000  }
0xdd: {  	[tilespmem:s6], [sflag:$0x1] =	stream.indirect.gather [hbm4b:s4+s5], $0x20, s29, s5, $0xb8;
	[tilespmem:$0x1B400] =	vst v63  }
0xde: {  	_ =	swait.ge [sflag:s14], $0x8000  }
0xdf: {  	[sflag:s14] =	ssyncset.done $0x0  }
0xe0: {  	[sflag:s14] =	ssyncadd.s32 $0xFFFF8000  }
0xe1: {  	[hbm4b:s30+s2] =	stream.linear.scatter [tilespmem:s10], [sflag:$0x6], $0x8000, $0x38;
	[tilespmem:$0x1B400] =	vst v63  }
0xe2: {  	_ =	swait.ge [sflag:s8], $0x8000  }
0xe3: {  	[sflag:s8] =	ssyncset.done $0x0  }
0xe4: {  	[sflag:s8] =	ssyncadd.s32 $0xFFFF8000  }
0xe5: {  	[hbm4b:s31+s2] =	stream.linear.scatter [tilespmem:s6], [sflag:$0x4], $0x8000, $0x38;
	[tilespmem:$0x1B400] =	vst v63  }
0xe6: {  	_ =	swait.ge [sflag:s15], $0x8000  }
0xe7: {  	p0 =	sne.s32 s1, $0x1;
	[sflag:s15] =	ssyncset.done $0x0  }
.Ltmp1:
0xe8: {  	[sflag:s15] =	ssyncadd.s32 $0xFFFF8000;
	(pc) =	sbr.rel @p0 .LBB2_1-.Ltmp1, $4  }
0xe9: {  	_ =	swait.ge [sflag:s17], $0x8000  }
0xea: {  	[sflag:s17] =	ssyncset.done $0x0  }
0xeb: {  	[sflag:s17] =	ssyncadd.s32 $0xFFFF8000  }
0xec: {  	s1 =	sadd.s32 $0xFFFFFFFF, s1;
	_ =	swait.ge [sflag:s12], $0x8000  }
.LBB2_2:
0xed: {  	[sflag:s12] =	ssyncset.done $0x0  }
0xee: {  	[sflag:s12] =	ssyncadd.s32 $0xFFFF8000  }
0xef: {  	_ =	sfence.sel $0x180000  }
0xf0: {  	[bflag:$0x0] =	sbarrier.arrive $0xFFFF  }
0xf1: {  	_ =	strace $0x90000047  }
0xf2: {  	s0 =	stileid.u32;
	[bflag:$0x2] =	sbarrier.arrive $0xFFFF  }
0xf3: {  	p0 =	sne.s32 s0, $0x0;
	s0 =	rddreg [dreg:$0x2]  }
0xf4: {  	s0 =	sadd.s32 @!p0 $0x100000, s0  }
0xf5: {  	[sflag:s0] =	ssyncadd.tile.s32 @!p0 $0x1;
	_ =	shalt  }
.Lfunc_end2:
_tile_overlayer_lowered:
.L_overlay_start_2:
0xf6: {  	(tag) =	ssettag $0x2  }
0xf7: {  	s0 =	rddreg [dreg:$0x0];
	s2 =	stileid.u32  }
0xf8: {  	s1 =	rddreg [dreg:$0x1];
	p0 =	sne.s32 s2, $0x0  }
0xf9: {  	s3 =	rddreg [dreg:$0x2];
	[bflag:$0x3] =	sbarrier.arrive $0xFFFF;
	s2 =	simm.s32 @!p0 $0x1C07  }
0xfa: {  	[timem:s3], [sflag:s2] =	dma.local @!p0 [hbm:s0], s1  }
0xfb: {  	s0 =	simm.s32 @!p0 $0x7  }
0xfc: {  	_ =	swait.ge @!p0 [sflag:s0], s1  }
0xfd: {  	s1 =	ssub.s32 @!p0 $0x0, s1;
	[sflag:s0] =	ssyncset.done @!p0 $0x0  }
0xfe: {  	[sflag:s0] =	ssyncadd.s32 @!p0 s1  }
0xff: {  	[bflag:$0x3] =	sbarrier.arrive $0xFFFF  }
0x100: {  	_ =	shalt  }

// kernel: sparse-core-data-format-call.cloned.1.call-start
scs
called_computation_lowered:
.L_overlay_start_0:
0x0: {  	s2 =	sld [smem:$0x3FD9]  }
0x1: {  	s3 =	sld [smem:$0x3FFE];
	_ =	sdelay $0x1  }
0x2: {  	s1 =	srdreg.scid  }
0x3: {  	s0 =	sand.u32 $0x1, s1  }
0x4: {  	s18 =	sshll.u32 s0, $0xA;
	s2 =	sadd.s32 s3, s2  }
0x5: {  	s2 =	sadd.s32 s2, s18  }
0x6: {  	[smem:$0x3FC6] =	sst s2  }
0x7: {  	_ = 	snop  }
0x8: {  	s2 =	sld [smem:$0x3FD0];
	(tm) =	ssettm $0x1  }
0x9: {  	s19 =	sld [smem:$0x3FFB];
	_ =	sdelay $0x3  }
0xa: {  	_ =	strace s19  }
0xb: {  	s3 =	sld [smem:$0x3FFC];
	_ =	sdelay $0x3  }
0xc: {  	_ =	strace s3  }
0xd: {  	s3 =	sld [smem:$0x3FFD];
	_ =	sdelay $0x3  }
0xe: {  	_ =	strace s3  }
0xf: {  	_ =	strace $0x8FFFFFFF  }
0x10: {  	s20 =	sld [smem:$0x3FDB];
	_ =	sdelay $0x1  }
0x11: {  	s4 =	simm.s32 $_scs_section_size  }
0x12: {  	s5 =	simm.s32 $_size__tile_overlayer_lowered;
	s6 =	simm.s32 $_tile_overlayer_lowered  }
0x13: {  	s23 =	simm.s32 $0x1BFF;
	s22 =	sshll.u32 s6, $0x1;
	s3 =	sadd.s32 s4, s20  }
0x14: {  	s7 =	simm.s32 $0x0;
	s21 =	sshll.u32 s5, $0x1;
	s5 =	sadd.s32 s22, s3  }
0x15: {  	[timem:s7], [sflag:s23] =	dma.local [hbm:s5], s21  }
0x16: {  	_ =	swait.ge [sflag:s23], s21  }
0x17: {  	s4 =	ssub.s32 $0x0, s21;
	[sflag:s23] =	ssyncset.done $0x0  }
0x18: {  	[sflag:s23] =	ssyncadd.s32 s4;
	_ =	sdelay $0x1  }
0x19: {  	s24 =	simm.s32 $0x1B8B  }
0x1a: {  	_ =	swait.ge [sflag:s24], $0x1  }
0x1b: {  	[sflag:s24] =	ssyncset.done $0x0  }
0x1c: {  	s26 =	simm.s32 $0x1B8E;
	s25 =	sld [smem:$0x3FFE];
	[sflag:s24] =	ssyncadd.s32 $0xFFFFFFFF  }
0x1d: {  	s27 =	simm.s32 $execute0_lowered;
	[smem:$0x3FD2] =	sst s26  }
0x1e: {  	s5 =	sshll.u32 s27, $0x1;
	_ =	strace $0x80000049;
	[dreg:$0x1] =	wrdreg $0xFFFFFFFF  }
0x1f: {  	s28 =	simm.s32 $_size_execute0_lowered;
	s3 =	sadd.s32 s3, s5;
	[dreg:$0x0] =	wrdreg $0x0  }
0x20: {  	s5 =	sshll.u32 s28, $0x1;
	[dreg:$0x2] =	wrdreg s3  }
0x21: {  	[dreg:$0x3] =	wrdreg s5  }
0x22: {  	[dreg:$0x4] =	wrdreg $0xC0  }
0x23: {  	_ =	task [dreg:s7], $0x5FFFF  }
0x24: {  	[dreg:$0x1] =	wrdreg $0xFFFFFFFF  }
0x25: {  	[dreg:$0x0] =	wrdreg $0x60  }
0x26: {  	[dreg:$0x2] =	wrdreg s25  }
0x27: {  	[dreg:$0x3] =	wrdreg s2  }
0x28: {  	[dreg:$0x4] =	wrdreg $0x9  }
0x29: {  	_ =	task.clear_ibuf [dreg:s7], $0x5FFFF;
	_ =	strace $0x90000049  }
0x2a: {  	s29 =	simm.s32 $0x9;
	_ =	strace $0x8000004B  }
0x2b: {  	_ =	swait.ge [sflag:s29], $0x1  }
0x2c: {  	[sflag:s29] =	ssyncadd.s32 $0xFFFFFFFF  }
0x2d: {  	_ =	strace $0x9000004B  }
0x2e: {  	_ =	sfence  }
0x2f: {  	s30 =	sld [smem:$0x0];
	_ =	sdelay $0x2  }
0x30: {  	s31 =	sshll.u32 s1, $0xD;
	s1 =	sshrl.u32 s1, $0x2  }
0x31: {  	s3 =	sand.u32 $0x4000, s31;
	s1 =	sadd.s32 s1, s30  }
0x32: {  	s0 =	sor.u32 s3, s0;
	s1 =	sshll.u32 s1, $0x11  }
0x33: {  	s0 =	sor.u32 s1, s0  }
0x34: {  	s0 =	sadd.s32 $0x8F2B, s0  }
0x35: {  	[sflag:s0] =	ssyncadd.remote.s32 $0x1  }
0x36: {  	_ =	sfence.sel $0xFFFF  }
0x37: {  	[dreg:$0x0] =	wrdreg $0xFFFFFFFF;
	(pc) =	sbr.abs _section_cstart, $3  }
0x38: {  	[dreg:$0x1] =	wrdreg $0xFFFFFFFF  }
0x39: {  	_ =	task.clear_ibuf [dreg:s7], $0x2FFFF;
	_ =	strace $0x9FFFFFFF  }
0x3a: {  	(tm) =	ssettm $0x7FFFFFFF  }
0x3b: {  	_ =	shalt  }
tec
execute0_lowered:
.L_overlay_start_1:
0x0: {  	(tag) =	ssettag $0x1  }
0x1: {  	s0 =	srdreg.scid  }
0x2: {  	s1 =	sshll.u32 s0, $0x4  }
0x3: {  	s0 =	stileid.u32;
	s1 =	sand.u32 $0x10, s1  }
0x4: {  	s1 =	sor.u32 s0, s1  }
0x5: {  	s6 =	rddreg [dreg:$0x0];
	s4 =	simm.s32 $0x1;
	s2 =	sshll.u32 s1, $0x7  }
0x6: {  	s7 =	simm.s32 $0x2;
	s12 =	simm.s32 $0x0;
	s1 =	ssub.s32 $0x4000, s2  }
0x7: {  	s8 =	simm.s32 $0x20000;
	s13 =	simm.s32 $0x0;
	s3 =	sand.u32 $0xF80, s1  }
0x8: {  	s9 =	simm.s32 $0x0;
	s5 =	sshrl.u32 s1, $0xC;
	p0 =	sne.s32 s3, $0x0  }
.Ltmp0:
0x9: {  	s1 =	rddreg [dreg:$0x2];
	s4 =	simm.s32 @!p0 $0x0;
	(pc) =	sbr.rel .LBB1_1-.Ltmp0, $4  }
0xa: {  	s11 =	simm.s32 $0x0;
	s3 =	rddreg [dreg:$0x1];
	s5 =	sadd.s32 s4, s5  }
0xb: {  	_ =	strace $0x8000004A;
	s4 =	simm.s32 $0x1;
	s5 =	smul.u32 $0x1A, s5  }
0xc: {  	s6 =	sadd.s32 $0x800, s6;
	s10 =	smov.u32 s2;
	[sflag:s4] =	ssyncpa.u1 $0x0  }
0xd: {  	p0 =	por $0x0, $0x0;
	[sflag:s7] =	ssyncpa.u1 $0x0;
	s7 =	sor.u32 $0x1, s5  }
.LBB1_4:
0xe: {  	s16 =	sshll.u32 s13, $0x3;
	s17 =	sand.u32 $0x78, s13  }
0xf: {  	s30 =	sand.u32 $0xF800, s13;
	s12 =	sshll.u32 s12, $0x10;
	s16 =	sand.u32 $0x3C00, s16  }
0x10: {  	s31 =	sand.u32 $0x7, s13;
	s16 =	sor.u32 s17, s16;
	s17 =	sadd.s32 s3, s30  }
0x11: {  	s13 =	sshll.u32 s31, $0x12;
	s16 =	sshrl.u32 s16, $0x3;
	s12 =	sadd.s32 s12, s17  }
0x12: {  	[tilespmem:s15+$0x0 ss:$0x81] =	vst.msk $0xffff, v0;
	s13 =	sor.u32 $0x400, s13;
	s12 =	sadd.s32 s16, s12  }
0x13: {  	[hbm4b:s12+s13] =	stream.strided.scatter [tilespmem:s14], [sflag:$0x2], $0x1000, s8, s13, $0x20;
	[tilespmem:$0x4040] =	vst v63  }
.LBB1_5:
0x14: {  	s14 =	sadd.s32 $0x1, s9  }
0x15: {  	s12 =	sadd.s32 $0x1000, s10;
	s16 =	smov.u32 s10;
	p2 =	sgt.s32 s14, $0x19  }
0x16: {  	s16 =	smov.u32 @p2 s12  }
0x17: {  	s14 =	simm.s32 @p2 $0x0;
	p2 =	sgt.s32 s16, $0x3FFF  }
0x18: {  	s16 =	smov.u32 @p2 s2;
	p2 =	sne.s32 s11, s7  }
.Ltmp1:
0x19: {  	p1 =	slt.u32 s11, $0x2;
	(pc) =	sbr.rel @!p2 .LBB1_6-.Ltmp1, $4  }
0x1a: {  	s15 =	simm.s32 @!p1 $0x2  }
0x1b: {  	s13 =	smov.u32 s10;
	p0 =	por !p0, !p0;
	_ =	swait.ge @!p1 [sflag:s15], $0x1000  }
0x1c: {  	s12 =	smov.u32 s9;
	[sflag:s15] =	ssyncset.done @!p1 $0x0;
	s9 =	smov.u32 s14  }
0x1d: {  	s11 =	sadd.s32 $0x1, s11;
	[sflag:s15] =	ssyncadd.s32 @!p1 $0xFFFFF000;
	s10 =	smov.u32 s16  }
.LBB1_1:
0x1e: {  	p1 =	sge.u32 s11, s5  }
0x1f: {  	s31 =	sadd.s32 $0xFFFFFFFF, s11;
	s14 =	sxor.u32 @!p1 $0xFFFFFFFF, s11  }
0x20: {  	s15 =	sshll.u32 @!p1 s10, $0x9;
	s16 =	sshll.u32 @!p1 s9, $0x4;
	s17 =	simm.s32 @!p1 $0x1000  }
0x21: {  	s14 =	sshll.u32 @!p1 s14, $0xC;
	s16 =	sand.u32 @!p1 $0x1F0, s16;
	s15 =	sadd.s32 @!p1 s6, s15  }
0x22: {  	s14 =	sand.u32 @!p1 $0x1000, s14;
	s15 =	sadd.s32 @!p1 s16, s15;
	s16 =	simm.s32 @!p1 $0x20  }
0x23: {  	[tilespmem:s14], [sflag:$0x1] =	stream.strided.gather @!p1 [hbm4b:s15+s16], $0x1000, s17, s16, $0x38;
	[tilespmem:$0x4040] =	vst v63  }
0x24: {  	p1 =	sge.u32 s31, s5  }
.Ltmp2:
0x25: {  	_ = 	snop;
	(pc) =	sbr.rel @p1 .LBB1_5-.Ltmp2, $1  }
0x26: {  	_ =	sdelay $0x3  }
0x27: {  	s14 =	simm.s32 $0x1  }
0x28: {  	_ =	swait.ge [sflag:s4], $0x1000;
	s14 =	simm.s32 @!p0 $0x0  }
0x29: {  	[sflag:s4] =	ssyncset.done $0x0;
	s15 =	sshll.u32 s14, $0xC  }
0x2a: {  	[sflag:s4] =	ssyncadd.s32 $0xFFFFF000;
	s18 =	sor.u32 $0x10, s15  }
0x2b: {  	s14 =	smul.u32 $0x4080, s14;
	v1 =	vld [tilespmem:s18+$0x0]  }
0x2c: {  	s30 =	sand.u32 $0x1, s11;
	v0 =	vld [tilespmem:s18+$0xFFFFFFF0]  }
0x2d: {  	s15 =	smul.u32 $0x4080, s30;
	s14 =	sshrl.u32 s14, $0x2  }
0x2e: {  	s16 =	sor.u32 $0x2000, s14  }
0x2f: {  	s31 =	sshrl.u32 s15, $0x2;
	s15 =	sadd.s32 $0x0, s16  }
0x30: {  	s17 =	simm.s32 $0x4;
	s18 =	sadd.s32 $0x20, s18;
	s14 =	sor.u32 $0x2000, s31;
	[tilespmem:s15+$0x810 ss:$0x81] =	vst.msk $0xffff, v1  }
.LBB1_3:
0x31: {  	v1 =	vld [tilespmem:s18+$0x0];
	p1 =	sne.s32 s17, $0x1FC;
	[tilespmem:s15+$0x0 ss:$0x81] =	vst.msk $0xffff, v0;
	s15 =	smov.u32 s17;
	s17 =	sadd.s32 $0x4, s17  }
.Ltmp3:
0x32: {  	v0 =	vld [tilespmem:s18+$0xFFFFFFF0];
	(pc) =	sbr.rel @p1 .LBB1_3-.Ltmp3, $4  }
0x33: {  	_ = 	snop  }
0x34: {  	s15 =	sshra.s32 s15, $0x2  }
0x35: {  	s15 =	sadd.s32 s15, s16  }
0x36: {  	s18 =	sadd.s32 $0x20, s18;
	[tilespmem:s15+$0x810 ss:$0x81] =	vst.msk $0xffff, v1  }
.Ltmp4:
0x37: {  	_ = 	snop;
	(pc) =	sbr.rel .LBB1_4-.Ltmp4, $1  }
0x38: {  	_ =	sdelay $0x3  }
.LBB1_6:
0x39: {  	_ =	sfence.sel $0x180000  }
0x3a: {  	s2 =	simm.s32 $0x1;
	[bflag:$0x0] =	sbarrier.arrive $0xFFFF  }
0x3b: {  	s31 =	simm.s32 $0x2;
	[sflag:s2] =	ssyncpa.u1 $0x1  }
0x3c: {  	[sflag:s31] =	ssyncpa.u1 $0x1  }
0x3d: {  	p0 =	sne.s32 s0, $0x0;
	_ =	strace $0x9000004A  }
0x3e: {  	s0 =	sadd.s32 @!p0 $0x100000, s1;
	[bflag:$0x2] =	sbarrier.arrive $0xFFFF  }
0x3f: {  	[sflag:s0] =	ssyncadd.tile.s32 @!p0 $0x1;
	_ =	shalt  }
.Lfunc_end1:
_tile_overlayer_lowered:
.L_overlay_start_2:
0x40: {  	(tag) =	ssettag $0x2  }
0x41: {  	s0 =	rddreg [dreg:$0x0];
	s2 =	stileid.u32  }
0x42: {  	s1 =	rddreg [dreg:$0x1];
	p0 =	sne.s32 s2, $0x0  }
0x43: {  	s3 =	rddreg [dreg:$0x2];
	[bflag:$0x3] =	sbarrier.arrive $0xFFFF;
	s2 =	simm.s32 @!p0 $0x1C01  }
0x44: {  	[timem:s3], [sflag:s2] =	dma.local @!p0 [hbm:s0], s1  }
0x45: {  	s0 =	simm.s32 @!p0 $0x1  }
0x46: {  	_ =	swait.ge @!p0 [sflag:s0], s1  }
0x47: {  	s1 =	ssub.s32 @!p0 $0x0, s1;
	[sflag:s0] =	ssyncset.done @!p0 $0x0  }
0x48: {  	[sflag:s0] =	ssyncadd.s32 @!p0 s1  }
0x49: {  	[bflag:$0x3] =	sbarrier.arrive $0xFFFF  }
0x4a: {  	_ =	shalt  }

</sc_bundles>
